<compile_context>
chip_gen: v7x
topology: tpu7x:2x2x1
jax: 0.10.2.dev20260603
libtpu: 0.0.44.dev20260713+nightly
codegen_flags: <defaults>
</compile_context>

<pallas_src>
import functools

import jax
import jax.numpy as jnp
from jax import lax
from jax.experimental import pallas as pl
from jax.experimental.pallas import tpu as pltpu
from jax.experimental.pallas import tpu_sc as plsc

_N = 10000
_E = 320000
_D = 128
_C = 16

_NC = 2
_NS = 16
_NW = _NC * _NS
_CH = 128
_CPW = 79
_EPAD = _NW * _CPW * _CH
_NPAD = 10240
_RPT = _NPAD // _NS


def _agg_body(x_hbm, src_hbm, dst_hbm, out_hbm, srcg, dstg, r0, acc):
    cid = lax.axis_index("c")
    sid = lax.axis_index("s")
    wid = sid * _NC + cid

    zero16 = jnp.zeros((16,), jnp.float32)

    def _zrow(i, carry):
        for c in range(_D // 16):
            r0[i, pl.ds(c * 16, 16)] = zero16
        return carry

    lax.fori_loop(0, _CH, _zrow, 0)
    for k in range(_RPT // _CH):
        pltpu.sync_copy(r0, acc.at[pl.ds(sid * _RPT + k * _CH, _CH)])
    plsc.subcore_barrier()

    pltpu.sync_copy(src_hbm.at[wid], srcg)
    pltpu.sync_copy(dst_hbm.at[wid], dstg)

    def _chunk(j, carry):
        pltpu.sync_copy(x_hbm.at[srcg.at[j]], r0)
        pltpu.sync_copy(r0, acc.at[dstg.at[j]], add=True)
        return carry

    lax.fori_loop(0, _CPW, _chunk, 0)
    plsc.subcore_barrier()

    pltpu.sync_copy(acc.at[pl.ds(sid * _RPT, _RPT)],
                    out_hbm.at[pl.ds(cid * _NPAD + sid * _RPT, _RPT)])


def _deg_body(dst_hbm, out_hbm, dst_v, ones_v, acc):
    cid = lax.axis_index("c")
    sid = lax.axis_index("s")
    wid = sid * _NC + cid

    zero16 = jnp.zeros((16,), jnp.float32)
    one16 = jnp.ones((16,), jnp.float32)

    def _zrow(i, carry):
        for c in range(_D // 16):
            ones_v[i, pl.ds(c * 16, 16)] = zero16
        return carry

    lax.fori_loop(0, _CH, _zrow, 0)
    for k in range(_RPT // _CH):
        pltpu.sync_copy(ones_v, acc.at[pl.ds(sid * _RPT + k * _CH, _CH)])

    def _orow(i, carry):
        for c in range(_D // 16):
            ones_v[i, pl.ds(c * 16, 16)] = one16
        return carry

    lax.fori_loop(0, _CH, _orow, 0)
    plsc.subcore_barrier()

    pltpu.sync_copy(dst_hbm.at[wid], dst_v)

    def _chunk(j, carry):
        pltpu.sync_copy(ones_v, acc.at[dst_v.at[j]], add=True)
        return carry

    lax.fori_loop(0, _CPW, _chunk, 0)
    plsc.subcore_barrier()

    pltpu.sync_copy(acc.at[pl.ds(sid * _RPT, _RPT)],
                    out_hbm.at[pl.ds(cid * _NPAD + sid * _RPT, _RPT)])


_SC_MESH = plsc.VectorSubcoreMesh(core_axis_name="c", subcore_axis_name="s")

_agg_call = pl.kernel(
    _agg_body,
    out_type=jax.ShapeDtypeStruct((_NC * _NPAD, _D), jnp.float32),
    mesh=_SC_MESH,
    scratch_types=[
        pltpu.VMEM((_CPW, _CH), jnp.int32),
        pltpu.VMEM((_CPW, _CH), jnp.int32),
        pltpu.VMEM((_CH, _D), jnp.float32),
        pltpu.VMEM_SHARED((_NPAD, _D), jnp.float32),
    ],
)

_deg_call = pl.kernel(
    _deg_body,
    out_type=jax.ShapeDtypeStruct((_NC * _NPAD, _D), jnp.float32),
    mesh=_SC_MESH,
    scratch_types=[
        pltpu.VMEM((_CPW, _CH), jnp.int32),
        pltpu.VMEM((_CH, _D), jnp.float32),
        pltpu.VMEM_SHARED((_NPAD, _D), jnp.float32),
    ],
)


_BN = 1000


def _dense_body(relu, d0r, d1r, p0r, p1r, xr, wlr, wrr, br, outr):
    deg = d0r[:, 0:1] + d1r[:, 0:1]
    inv = 1.0 / jnp.maximum(deg, 1.0)
    mean = (p0r[...] + p1r[...]) * inv
    h = (jnp.dot(mean, wlr[...], preferred_element_type=jnp.float32)
         + jnp.dot(xr[...], wrr[...], preferred_element_type=jnp.float32)
         + br[...])
    outr[...] = jnp.maximum(h, 0.0) if relu else h


def _final_body(d0r, d1r, p0r, p1r, xr, wlr, wrr, br, fcwr, fcbr, embr, lsmr):
    deg = d0r[:, 0:1] + d1r[:, 0:1]
    inv = 1.0 / jnp.maximum(deg, 1.0)
    mean = (p0r[...] + p1r[...]) * inv
    emb = (jnp.dot(mean, wlr[...], preferred_element_type=jnp.float32)
           + jnp.dot(xr[...], wrr[...], preferred_element_type=jnp.float32)
           + br[...])
    embr[...] = emb
    logits = jnp.dot(emb, fcwr[...], preferred_element_type=jnp.float32) + fcbr[...]
    m = jnp.max(logits, axis=1, keepdims=True)
    e = jnp.exp(logits - m)
    lsmr[...] = (logits - m) - jnp.log(jnp.sum(e, axis=1, keepdims=True))


def _row_spec(w):
    return pl.BlockSpec((_BN, w), lambda i: (i, 0))


def _full_spec(h, w):
    return pl.BlockSpec((h, w), lambda i: (0, 0))


def _dense_layer(relu, d0, d1, p0, p1, x, Wl, Wr, b):
    return pl.pallas_call(
        functools.partial(_dense_body, relu),
        grid=(_N // _BN,),
        in_specs=[_row_spec(_D), _row_spec(_D), _row_spec(_D), _row_spec(_D),
                  _row_spec(_D), _full_spec(_D, _D), _full_spec(_D, _D),
                  _full_spec(1, _D)],
        out_specs=_row_spec(_D),
        out_shape=jax.ShapeDtypeStruct((_N, _D), jnp.float32),
    )(d0, d1, p0, p1, x, Wl, Wr, b.reshape(1, _D))


def _final_layer(d0, d1, p0, p1, x, Wl, Wr, b, fcW, fcb):
    return pl.pallas_call(
        _final_body,
        grid=(_N // _BN,),
        in_specs=[_row_spec(_D), _row_spec(_D), _row_spec(_D), _row_spec(_D),
                  _row_spec(_D), _full_spec(_D, _D), _full_spec(_D, _D),
                  _full_spec(1, _D), _full_spec(_D, _C), _full_spec(1, _C)],
        out_specs=[_row_spec(_D), _row_spec(_C)],
        out_shape=[jax.ShapeDtypeStruct((_N, _D), jnp.float32),
                   jax.ShapeDtypeStruct((_N, _C), jnp.float32)],
    )(d0, d1, p0, p1, x, Wl, Wr, b.reshape(1, _D), fcW, fcb.reshape(1, _C))


def kernel(x, edge_index, Wl0, Wr0, b0, Wl1, Wr1, b1, Wl2, Wr2, b2, fcW, fcb):
    src = edge_index[0]
    dst = edge_index[1]
    pad = _EPAD - _E
    srcp = jnp.concatenate([src, jnp.zeros((pad,), jnp.int32)]).reshape(_NW, _CPW, _CH)
    dstp = jnp.concatenate([dst, jnp.full((pad,), _N, jnp.int32)]).reshape(_NW, _CPW, _CH)

    dp = _deg_call(dstp)
    d0 = dp[:_N]
    d1 = dp[_NPAD:_NPAD + _N]

    h = x
    for li, (Wl, Wr, b) in enumerate(((Wl0, Wr0, b0), (Wl1, Wr1, b1), (Wl2, Wr2, b2))):
        p = _agg_call(h, srcp, dstp)
        p0 = p[:_N]
        p1 = p[_NPAD:_NPAD + _N]
        if li < 2:
            h = _dense_layer(True, d0, d1, p0, p1, h, Wl, Wr, b)
        else:
            emb, lsm = _final_layer(d0, d1, p0, p1, h, Wl, Wr, b, fcW, fcb)
    return (emb, lsm)

# --- scband reference (transcript-rebuilt; emitter-appended) ---
"""Pipeline reference for scband-graph-sage-29454885716510 (READ-ONLY COPY).

The authoritative reference and input builder live on the scoring server;
editing this copy changes nothing except your own understanding.
"""

import jax, jax.numpy as jnp
import numpy as np

N = 10000
E = 320000
D = 128
H = 128
OE = 128
C = 16


def _glorot(key, shape):
    fan = shape[0]
    return jax.random.normal(key, shape, dtype=jnp.float32) * (1.0 / np.sqrt(fan))


def setup_inputs(seed: int = 0) -> dict:
    key = jax.random.key(seed)
    ks = jax.random.split(key, 16)
    x = jax.random.normal(ks[0], (N, D), dtype=jnp.float32)
    edge_index = jax.random.randint(ks[1], (2, E), 0, N, dtype=jnp.int32)
    return {
        'x': x,
        'edge_index': edge_index,
        'Wl0': _glorot(ks[2], (D, H)),
        'Wr0': _glorot(ks[3], (D, H)),
        'b0': jnp.zeros((H,), jnp.float32),
        'Wl1': _glorot(ks[4], (H, H)),
        'Wr1': _glorot(ks[5], (H, H)),
        'b1': jnp.zeros((H,), jnp.float32),
        'Wl2': _glorot(ks[6], (H, OE)),
        'Wr2': _glorot(ks[7], (H, OE)),
        'b2': jnp.zeros((OE,), jnp.float32),
        'fcW': _glorot(ks[8], (OE, C)),
        'fcb': jnp.zeros((C,), jnp.float32),
    }


def _sage_conv(x, src, dst, Wl, Wr, b):
    # PyG SAGEConv with mean aggregation:
    # out = lin_l(mean_{j in N(i)} x_j) + lin_r(x_i)
    msg = jnp.take(x, src, axis=0)
    agg = jax.ops.segment_sum(msg, dst, num_segments=N)
    deg = jax.ops.segment_sum(jnp.ones((src.shape[0],), jnp.float32), dst, num_segments=N)
    mean = agg / jnp.clip(deg, 1.0, None)[:, None]
    return mean @ Wl + x @ Wr + b


def reference(x, edge_index, Wl0, Wr0, b0, Wl1, Wr1, b1, Wl2, Wr2, b2, fcW, fcb):
    src = edge_index[0]
    dst = edge_index[1]
    # layer 0 (+relu; dropout is identity in eval mode)
    h = jax.nn.relu(_sage_conv(x, src, dst, Wl0, Wr0, b0))
    # layer 1 (+relu)
    h = jax.nn.relu(_sage_conv(h, src, dst, Wl1, Wr1, b1))
    # final SAGE layer (no activation)
    emb = _sage_conv(h, src, dst, Wl2, Wr2, b2)
    logits = emb @ fcW + fcb
    return (emb, jax.nn.log_softmax(logits, axis=1))

if __name__ == "__main__":
    import jax
    _d = setup_inputs()
    print(jax.jit(kernel)(*tuple(_d.values())))

</pallas_src>

<mosaic_0001>
#map = affine_map<(d0, d1) -> (0, 0, 0)>
#map1 = affine_map<(d0, d1) -> (0, 0)>
module attributes {stable_mosaic.version = 14 : i64} {
  func.func @_deg_body(%arg0: i32, %arg1: i32, %arg2: memref<32x79x128xi32, #tpu.memory_space<hbm>>, %arg3: memref<20480x128xf32, #tpu.memory_space<hbm>>, %arg4: memref<79x128xi32, #tpu.memory_space<vmem>>, %arg5: memref<128x128xf32, #tpu.memory_space<vmem>>, %arg6: memref<10240x128xf32, #tpu.memory_space<vmem_shared>>) attributes {dimension_semantics = [#tpu.dimension_semantics<core_parallel>, #tpu.dimension_semantics<subcore_parallel>], iteration_bounds = array<i64: 2, 16>, scalar_prefetch = 0 : i64, scratch_operands = 3 : i64, tpu.core_type = #tpu.core_type<sc_vector_subcore>, window_params = [{transform_indices = #map}, {transform_indices = #map1}]} {
    %mul3A = arith.constant 2 : i32
    %mul3A_0 = arith.muli %arg1, %mul3A : i32
    %add3A = arith.addi %mul3A_0, %arg0 : i32
    %broadcast_in_dim3A = arith.constant 0.000000e+00 : f32
    %broadcast_in_dim3A_1 = vector.broadcast %broadcast_in_dim3A : f32 to vector<16xf32>
    %broadcast_in_dim3A_2 = arith.constant 1.000000e+00 : f32
    %broadcast_in_dim3A_3 = vector.broadcast %broadcast_in_dim3A_2 : f32 to vector<16xf32>
    %scan3A = arith.constant 0 : i32
    %scan3A_4 = arith.constant 0 : i32
    %scan3A_5 = arith.constant 128 : i32
    %scan3A_6 = arith.addi %scan3A_4, %scan3A_5 : i32
    %scan3A_7 = arith.constant 1 : i32
    scf.for %scan3A_49 = %scan3A_4 to %scan3A_6 step %scan3A_7  : i32 {
      %swap3A = arith.index_cast %scan3A_49 : i32 to index
      %swap3A_50 = arith.constant 0 : index
      %swap3A_51 = tpu.vector_load %arg5[%swap3A, %swap3A_50] {strides = array<i32>} : memref<128x128xf32, #tpu.memory_space<vmem>>, vector<1x16xf32>,
      %swap3A_52 = vector.shape_cast %swap3A_51 : vector<1x16xf32> to vector<16xf32>
      %swap3A_53 = vector.shape_cast %broadcast_in_dim3A_1 : vector<16xf32> to vector<1x16xf32>
      tpu.vector_store %arg5[%swap3A, %swap3A_50], %swap3A_53 {strides = array<i32>} : memref<128x128xf32, #tpu.memory_space<vmem>>, vector<1x16xf32>,
      %swap3A_54 = arith.index_cast %scan3A_49 : i32 to index
      %swap3A_55 = arith.constant 16 : index
      %swap3A_56 = tpu.vector_load %arg5[%swap3A_54, %swap3A_55] {strides = array<i32>} : memref<128x128xf32, #tpu.memory_space<vmem>>, vector<1x16xf32>,
      %swap3A_57 = vector.shape_cast %swap3A_56 : vector<1x16xf32> to vector<16xf32>
      %swap3A_58 = vector.shape_cast %broadcast_in_dim3A_1 : vector<16xf32> to vector<1x16xf32>
      tpu.vector_store %arg5[%swap3A_54, %swap3A_55], %swap3A_58 {strides = array<i32>} : memref<128x128xf32, #tpu.memory_space<vmem>>, vector<1x16xf32>,
      %swap3A_59 = arith.index_cast %scan3A_49 : i32 to index
      %swap3A_60 = arith.constant 32 : index
      %swap3A_61 = tpu.vector_load %arg5[%swap3A_59, %swap3A_60] {strides = array<i32>} : memref<128x128xf32, #tpu.memory_space<vmem>>, vector<1x16xf32>,
      %swap3A_62 = vector.shape_cast %swap3A_61 : vector<1x16xf32> to vector<16xf32>
      %swap3A_63 = vector.shape_cast %broadcast_in_dim3A_1 : vector<16xf32> to vector<1x16xf32>
      tpu.vector_store %arg5[%swap3A_59, %swap3A_60], %swap3A_63 {strides = array<i32>} : memref<128x128xf32, #tpu.memory_space<vmem>>, vector<1x16xf32>,
      %swap3A_64 = arith.index_cast %scan3A_49 : i32 to index
      %swap3A_65 = arith.constant 48 : index
      %swap3A_66 = tpu.vector_load %arg5[%swap3A_64, %swap3A_65] {strides = array<i32>} : memref<128x128xf32, #tpu.memory_space<vmem>>, vector<1x16xf32>,
      %swap3A_67 = vector.shape_cast %swap3A_66 : vector<1x16xf32> to vector<16xf32>
      %swap3A_68 = vector.shape_cast %broadcast_in_dim3A_1 : vector<16xf32> to vector<1x16xf32>
      tpu.vector_store %arg5[%swap3A_64, %swap3A_65], %swap3A_68 {strides = array<i32>} : memref<128x128xf32, #tpu.memory_space<vmem>>, vector<1x16xf32>,
      %swap3A_69 = arith.index_cast %scan3A_49 : i32 to index
      %swap3A_70 = arith.constant 64 : index
      %swap3A_71 = tpu.vector_load %arg5[%swap3A_69, %swap3A_70] {strides = array<i32>} : memref<128x128xf32, #tpu.memory_space<vmem>>, vector<1x16xf32>,
      %swap3A_72 = vector.shape_cast %swap3A_71 : vector<1x16xf32> to vector<16xf32>
      %swap3A_73 = vector.shape_cast %broadcast_in_dim3A_1 : vector<16xf32> to vector<1x16xf32>
      tpu.vector_store %arg5[%swap3A_69, %swap3A_70], %swap3A_73 {strides = array<i32>} : memref<128x128xf32, #tpu.memory_space<vmem>>, vector<1x16xf32>,
      %swap3A_74 = arith.index_cast %scan3A_49 : i32 to index
      %swap3A_75 = arith.constant 80 : index
      %swap3A_76 = tpu.vector_load %arg5[%swap3A_74, %swap3A_75] {strides = array<i32>} : memref<128x128xf32, #tpu.memory_space<vmem>>, vector<1x16xf32>,
      %swap3A_77 = vector.shape_cast %swap3A_76 : vector<1x16xf32> to vector<16xf32>
      %swap3A_78 = vector.shape_cast %broadcast_in_dim3A_1 : vector<16xf32> to vector<1x16xf32>
      tpu.vector_store %arg5[%swap3A_74, %swap3A_75], %swap3A_78 {strides = array<i32>} : memref<128x128xf32, #tpu.memory_space<vmem>>, vector<1x16xf32>,
      %swap3A_79 = arith.index_cast %scan3A_49 : i32 to index
      %swap3A_80 = arith.constant 96 : index
      %swap3A_81 = tpu.vector_load %arg5[%swap3A_79, %swap3A_80] {strides = array<i32>} : memref<128x128xf32, #tpu.memory_space<vmem>>, vector<1x16xf32>,
      %swap3A_82 = vector.shape_cast %swap3A_81 : vector<1x16xf32> to vector<16xf32>
      %swap3A_83 = vector.shape_cast %broadcast_in_dim3A_1 : vector<16xf32> to vector<1x16xf32>
      tpu.vector_store %arg5[%swap3A_79, %swap3A_80], %swap3A_83 {strides = array<i32>} : memref<128x128xf32, #tpu.memory_space<vmem>>, vector<1x16xf32>,
      %swap3A_84 = arith.index_cast %scan3A_49 : i32 to index
      %swap3A_85 = arith.constant 112 : index
      %swap3A_86 = tpu.vector_load %arg5[%swap3A_84, %swap3A_85] {strides = array<i32>} : memref<128x128xf32, #tpu.memory_space<vmem>>, vector<1x16xf32>,
      %swap3A_87 = vector.shape_cast %swap3A_86 : vector<1x16xf32> to vector<16xf32>
      %swap3A_88 = vector.shape_cast %broadcast_in_dim3A_1 : vector<16xf32> to vector<1x16xf32>
      tpu.vector_store %arg5[%swap3A_84, %swap3A_85], %swap3A_88 {strides = array<i32>} : memref<128x128xf32, #tpu.memory_space<vmem>>, vector<1x16xf32>,
    }
    %scan3A_8 = arith.constant 128 : i32
    %mul3A_9 = arith.constant 640 : i32
    %mul3A_10 = arith.muli %arg1, %mul3A_9 : i32
    %add3A_11 = arith.constant 0 : i32
    %add3A_12 = arith.addi %mul3A_10, %add3A_11 : i32
    "tpu.region"() ({
      %run_scoped3A = tpu.sem_alloc : memref<!tpu.dma_semaphore, #tpu.memory_space<semaphore_mem>>
      %dma_start3A = arith.constant 0 : i32
      %dma_start3A_49 = tpu.memref_slice %arg6[%add3A_12, %dma_start3A] : memref<10240x128xf32, #tpu.memory_space<vmem_shared>> -> memref<128x128xf32, #tpu.memory_space<vmem_shared>>
      %dma_start3A_50 = arith.constant 0 : i32
      %dma_start3A_51 = tpu.memref_slice %arg6[%add3A_12, %dma_start3A_50] : memref<10240x128xf32, #tpu.memory_space<vmem_shared>> -> memref<128x128xf32, #tpu.memory_space<vmem_shared>>
      tpu.enqueue_dma source(%arg5 : memref<128x128xf32, #tpu.memory_space<vmem>>) target(%dma_start3A_51 : memref<128x128xf32, #tpu.memory_space<vmem_shared>>) target_semaphore(%run_scoped3A : memref<!tpu.dma_semaphore, #tpu.memory_space<semaphore_mem>>)
      %dma_wait3A = arith.constant 0 : i32
      %dma_wait3A_52 = tpu.memref_slice %arg6[%add3A_12, %dma_wait3A] : memref<10240x128xf32, #tpu.memory_space<vmem_shared>> -> memref<128x128xf32, #tpu.memory_space<vmem_shared>>
      %dma_wait3A_53 = arith.constant 0 : i32
      %dma_wait3A_54 = tpu.memref_slice %arg6[%add3A_12, %dma_wait3A_53] : memref<10240x128xf32, #tpu.memory_space<vmem_shared>> -> memref<128x128xf32, #tpu.memory_space<vmem_shared>>
      tpu.wait_dma2 semaphore(%run_scoped3A : memref<!tpu.dma_semaphore, #tpu.memory_space<semaphore_mem>>) src(%arg5 : memref<128x128xf32, #tpu.memory_space<vmem>>) dst(%dma_wait3A_54 : memref<128x128xf32, #tpu.memory_space<vmem_shared>>)
      tpu.yield
    }) : () -> ()
    %mul3A_13 = arith.constant 640 : i32
    %mul3A_14 = arith.muli %arg1, %mul3A_13 : i32
    %add3A_15 = arith.constant 128 : i32
    %add3A_16 = arith.addi %mul3A_14, %add3A_15 : i32
    "tpu.region"() ({
      %run_scoped3A = tpu.sem_alloc : memref<!tpu.dma_semaphore, #tpu.memory_space<semaphore_mem>>
      %dma_start3A = arith.constant 0 : i32
      %dma_start3A_49 = tpu.memref_slice %arg6[%add3A_16, %dma_start3A] : memref<10240x128xf32, #tpu.memory_space<vmem_shared>> -> memref<128x128xf32, #tpu.memory_space<vmem_shared>>
      %dma_start3A_50 = arith.constant 0 : i32
      %dma_start3A_51 = tpu.memref_slice %arg6[%add3A_16, %dma_start3A_50] : memref<10240x128xf32, #tpu.memory_space<vmem_shared>> -> memref<128x128xf32, #tpu.memory_space<vmem_shared>>
      tpu.enqueue_dma source(%arg5 : memref<128x128xf32, #tpu.memory_space<vmem>>) target(%dma_start3A_51 : memref<128x128xf32, #tpu.memory_space<vmem_shared>>) target_semaphore(%run_scoped3A : memref<!tpu.dma_semaphore, #tpu.memory_space<semaphore_mem>>)
      %dma_wait3A = arith.constant 0 : i32
      %dma_wait3A_52 = tpu.memref_slice %arg6[%add3A_16, %dma_wait3A] : memref<10240x128xf32, #tpu.memory_space<vmem_shared>> -> memref<128x128xf32, #tpu.memory_space<vmem_shared>>
      %dma_wait3A_53 = arith.constant 0 : i32
      %dma_wait3A_54 = tpu.memref_slice %arg6[%add3A_16, %dma_wait3A_53] : memref<10240x128xf32, #tpu.memory_space<vmem_shared>> -> memref<128x128xf32, #tpu.memory_space<vmem_shared>>
      tpu.wait_dma2 semaphore(%run_scoped3A : memref<!tpu.dma_semaphore, #tpu.memory_space<semaphore_mem>>) src(%arg5 : memref<128x128xf32, #tpu.memory_space<vmem>>) dst(%dma_wait3A_54 : memref<128x128xf32, #tpu.memory_space<vmem_shared>>)
      tpu.yield
    }) : () -> ()
    %mul3A_17 = arith.constant 640 : i32
    %mul3A_18 = arith.muli %arg1, %mul3A_17 : i32
    %add3A_19 = arith.constant 256 : i32
    %add3A_20 = arith.addi %mul3A_18, %add3A_19 : i32
    "tpu.region"() ({
      %run_scoped3A = tpu.sem_alloc : memref<!tpu.dma_semaphore, #tpu.memory_space<semaphore_mem>>
      %dma_start3A = arith.constant 0 : i32
      %dma_start3A_49 = tpu.memref_slice %arg6[%add3A_20, %dma_start3A] : memref<10240x128xf32, #tpu.memory_space<vmem_shared>> -> memref<128x128xf32, #tpu.memory_space<vmem_shared>>
      %dma_start3A_50 = arith.constant 0 : i32
      %dma_start3A_51 = tpu.memref_slice %arg6[%add3A_20, %dma_start3A_50] : memref<10240x128xf32, #tpu.memory_space<vmem_shared>> -> memref<128x128xf32, #tpu.memory_space<vmem_shared>>
      tpu.enqueue_dma source(%arg5 : memref<128x128xf32, #tpu.memory_space<vmem>>) target(%dma_start3A_51 : memref<128x128xf32, #tpu.memory_space<vmem_shared>>) target_semaphore(%run_scoped3A : memref<!tpu.dma_semaphore, #tpu.memory_space<semaphore_mem>>)
      %dma_wait3A = arith.constant 0 : i32
      %dma_wait3A_52 = tpu.memref_slice %arg6[%add3A_20, %dma_wait3A] : memref<10240x128xf32, #tpu.memory_space<vmem_shared>> -> memref<128x128xf32, #tpu.memory_space<vmem_shared>>
      %dma_wait3A_53 = arith.constant 0 : i32
      %dma_wait3A_54 = tpu.memref_slice %arg6[%add3A_20, %dma_wait3A_53] : memref<10240x128xf32, #tpu.memory_space<vmem_shared>> -> memref<128x128xf32, #tpu.memory_space<vmem_shared>>
      tpu.wait_dma2 semaphore(%run_scoped3A : memref<!tpu.dma_semaphore, #tpu.memory_space<semaphore_mem>>) src(%arg5 : memref<128x128xf32, #tpu.memory_space<vmem>>) dst(%dma_wait3A_54 : memref<128x128xf32, #tpu.memory_space<vmem_shared>>)
      tpu.yield
    }) : () -> ()
    %mul3A_21 = arith.constant 640 : i32
    %mul3A_22 = arith.muli %arg1, %mul3A_21 : i32
    %add3A_23 = arith.constant 384 : i32
    %add3A_24 = arith.addi %mul3A_22, %add3A_23 : i32
    "tpu.region"() ({
      %run_scoped3A = tpu.sem_alloc : memref<!tpu.dma_semaphore, #tpu.memory_space<semaphore_mem>>
      %dma_start3A = arith.constant 0 : i32
      %dma_start3A_49 = tpu.memref_slice %arg6[%add3A_24, %dma_start3A] : memref<10240x128xf32, #tpu.memory_space<vmem_shared>> -> memref<128x128xf32, #tpu.memory_space<vmem_shared>>
      %dma_start3A_50 = arith.constant 0 : i32
      %dma_start3A_51 = tpu.memref_slice %arg6[%add3A_24, %dma_start3A_50] : memref<10240x128xf32, #tpu.memory_space<vmem_shared>> -> memref<128x128xf32, #tpu.memory_space<vmem_shared>>
      tpu.enqueue_dma source(%arg5 : memref<128x128xf32, #tpu.memory_space<vmem>>) target(%dma_start3A_51 : memref<128x128xf32, #tpu.memory_space<vmem_shared>>) target_semaphore(%run_scoped3A : memref<!tpu.dma_semaphore, #tpu.memory_space<semaphore_mem>>)
      %dma_wait3A = arith.constant 0 : i32
      %dma_wait3A_52 = tpu.memref_slice %arg6[%add3A_24, %dma_wait3A] : memref<10240x128xf32, #tpu.memory_space<vmem_shared>> -> memref<128x128xf32, #tpu.memory_space<vmem_shared>>
      %dma_wait3A_53 = arith.constant 0 : i32
      %dma_wait3A_54 = tpu.memref_slice %arg6[%add3A_24, %dma_wait3A_53] : memref<10240x128xf32, #tpu.memory_space<vmem_shared>> -> memref<128x128xf32, #tpu.memory_space<vmem_shared>>
      tpu.wait_dma2 semaphore(%run_scoped3A : memref<!tpu.dma_semaphore, #tpu.memory_space<semaphore_mem>>) src(%arg5 : memref<128x128xf32, #tpu.memory_space<vmem>>) dst(%dma_wait3A_54 : memref<128x128xf32, #tpu.memory_space<vmem_shared>>)
      tpu.yield
    }) : () -> ()
    %mul3A_25 = arith.constant 640 : i32
    %mul3A_26 = arith.muli %arg1, %mul3A_25 : i32
    %add3A_27 = arith.constant 512 : i32
    %add3A_28 = arith.addi %mul3A_26, %add3A_27 : i32
    "tpu.region"() ({
      %run_scoped3A = tpu.sem_alloc : memref<!tpu.dma_semaphore, #tpu.memory_space<semaphore_mem>>
      %dma_start3A = arith.constant 0 : i32
      %dma_start3A_49 = tpu.memref_slice %arg6[%add3A_28, %dma_start3A] : memref<10240x128xf32, #tpu.memory_space<vmem_shared>> -> memref<128x128xf32, #tpu.memory_space<vmem_shared>>
      %dma_start3A_50 = arith.constant 0 : i32
      %dma_start3A_51 = tpu.memref_slice %arg6[%add3A_28, %dma_start3A_50] : memref<10240x128xf32, #tpu.memory_space<vmem_shared>> -> memref<128x128xf32, #tpu.memory_space<vmem_shared>>
      tpu.enqueue_dma source(%arg5 : memref<128x128xf32, #tpu.memory_space<vmem>>) target(%dma_start3A_51 : memref<128x128xf32, #tpu.memory_space<vmem_shared>>) target_semaphore(%run_scoped3A : memref<!tpu.dma_semaphore, #tpu.memory_space<semaphore_mem>>)
      %dma_wait3A = arith.constant 0 : i32
      %dma_wait3A_52 = tpu.memref_slice %arg6[%add3A_28, %dma_wait3A] : memref<10240x128xf32, #tpu.memory_space<vmem_shared>> -> memref<128x128xf32, #tpu.memory_space<vmem_shared>>
      %dma_wait3A_53 = arith.constant 0 : i32
      %dma_wait3A_54 = tpu.memref_slice %arg6[%add3A_28, %dma_wait3A_53] : memref<10240x128xf32, #tpu.memory_space<vmem_shared>> -> memref<128x128xf32, #tpu.memory_space<vmem_shared>>
      tpu.wait_dma2 semaphore(%run_scoped3A : memref<!tpu.dma_semaphore, #tpu.memory_space<semaphore_mem>>) src(%arg5 : memref<128x128xf32, #tpu.memory_space<vmem>>) dst(%dma_wait3A_54 : memref<128x128xf32, #tpu.memory_space<vmem_shared>>)
      tpu.yield
    }) : () -> ()
    %scan3A_29 = arith.constant 0 : i32
    %scan3A_30 = arith.constant 0 : i32
    %scan3A_31 = arith.constant 128 : i32
    %scan3A_32 = arith.addi %scan3A_30, %scan3A_31 : i32
    %scan3A_33 = arith.constant 1 : i32
    scf.for %scan3A_49 = %scan3A_30 to %scan3A_32 step %scan3A_33  : i32 {
      %swap3A = arith.index_cast %scan3A_49 : i32 to index
      %swap3A_50 = arith.constant 0 : index
      %swap3A_51 = tpu.vector_load %arg5[%swap3A, %swap3A_50] {strides = array<i32>} : memref<128x128xf32, #tpu.memory_space<vmem>>, vector<1x16xf32>,
      %swap3A_52 = vector.shape_cast %swap3A_51 : vector<1x16xf32> to vector<16xf32>
      %swap3A_53 = vector.shape_cast %broadcast_in_dim3A_3 : vector<16xf32> to vector<1x16xf32>
      tpu.vector_store %arg5[%swap3A, %swap3A_50], %swap3A_53 {strides = array<i32>} : memref<128x128xf32, #tpu.memory_space<vmem>>, vector<1x16xf32>,
      %swap3A_54 = arith.index_cast %scan3A_49 : i32 to index
      %swap3A_55 = arith.constant 16 : index
      %swap3A_56 = tpu.vector_load %arg5[%swap3A_54, %swap3A_55] {strides = array<i32>} : memref<128x128xf32, #tpu.memory_space<vmem>>, vector<1x16xf32>,
      %swap3A_57 = vector.shape_cast %swap3A_56 : vector<1x16xf32> to vector<16xf32>
      %swap3A_58 = vector.shape_cast %broadcast_in_dim3A_3 : vector<16xf32> to vector<1x16xf32>
      tpu.vector_store %arg5[%swap3A_54, %swap3A_55], %swap3A_58 {strides = array<i32>} : memref<128x128xf32, #tpu.memory_space<vmem>>, vector<1x16xf32>,
      %swap3A_59 = arith.index_cast %scan3A_49 : i32 to index
      %swap3A_60 = arith.constant 32 : index
      %swap3A_61 = tpu.vector_load %arg5[%swap3A_59, %swap3A_60] {strides = array<i32>} : memref<128x128xf32, #tpu.memory_space<vmem>>, vector<1x16xf32>,
      %swap3A_62 = vector.shape_cast %swap3A_61 : vector<1x16xf32> to vector<16xf32>
      %swap3A_63 = vector.shape_cast %broadcast_in_dim3A_3 : vector<16xf32> to vector<1x16xf32>
      tpu.vector_store %arg5[%swap3A_59, %swap3A_60], %swap3A_63 {strides = array<i32>} : memref<128x128xf32, #tpu.memory_space<vmem>>, vector<1x16xf32>,
      %swap3A_64 = arith.index_cast %scan3A_49 : i32 to index
      %swap3A_65 = arith.constant 48 : index
      %swap3A_66 = tpu.vector_load %arg5[%swap3A_64, %swap3A_65] {strides = array<i32>} : memref<128x128xf32, #tpu.memory_space<vmem>>, vector<1x16xf32>,
      %swap3A_67 = vector.shape_cast %swap3A_66 : vector<1x16xf32> to vector<16xf32>
      %swap3A_68 = vector.shape_cast %broadcast_in_dim3A_3 : vector<16xf32> to vector<1x16xf32>
      tpu.vector_store %arg5[%swap3A_64, %swap3A_65], %swap3A_68 {strides = array<i32>} : memref<128x128xf32, #tpu.memory_space<vmem>>, vector<1x16xf32>,
      %swap3A_69 = arith.index_cast %scan3A_49 : i32 to index
      %swap3A_70 = arith.constant 64 : index
      %swap3A_71 = tpu.vector_load %arg5[%swap3A_69, %swap3A_70] {strides = array<i32>} : memref<128x128xf32, #tpu.memory_space<vmem>>, vector<1x16xf32>,
      %swap3A_72 = vector.shape_cast %swap3A_71 : vector<1x16xf32> to vector<16xf32>
      %swap3A_73 = vector.shape_cast %broadcast_in_dim3A_3 : vector<16xf32> to vector<1x16xf32>
      tpu.vector_store %arg5[%swap3A_69, %swap3A_70], %swap3A_73 {strides = array<i32>} : memref<128x128xf32, #tpu.memory_space<vmem>>, vector<1x16xf32>,
      %swap3A_74 = arith.index_cast %scan3A_49 : i32 to index
      %swap3A_75 = arith.constant 80 : index
      %swap3A_76 = tpu.vector_load %arg5[%swap3A_74, %swap3A_75] {strides = array<i32>} : memref<128x128xf32, #tpu.memory_space<vmem>>, vector<1x16xf32>,
      %swap3A_77 = vector.shape_cast %swap3A_76 : vector<1x16xf32> to vector<16xf32>
      %swap3A_78 = vector.shape_cast %broadcast_in_dim3A_3 : vector<16xf32> to vector<1x16xf32>
      tpu.vector_store %arg5[%swap3A_74, %swap3A_75], %swap3A_78 {strides = array<i32>} : memref<128x128xf32, #tpu.memory_space<vmem>>, vector<1x16xf32>,
      %swap3A_79 = arith.index_cast %scan3A_49 : i32 to index
      %swap3A_80 = arith.constant 96 : index
      %swap3A_81 = tpu.vector_load %arg5[%swap3A_79, %swap3A_80] {strides = array<i32>} : memref<128x128xf32, #tpu.memory_space<vmem>>, vector<1x16xf32>,
      %swap3A_82 = vector.shape_cast %swap3A_81 : vector<1x16xf32> to vector<16xf32>
      %swap3A_83 = vector.shape_cast %broadcast_in_dim3A_3 : vector<16xf32> to vector<1x16xf32>
      tpu.vector_store %arg5[%swap3A_79, %swap3A_80], %swap3A_83 {strides = array<i32>} : memref<128x128xf32, #tpu.memory_space<vmem>>, vector<1x16xf32>,
      %swap3A_84 = arith.index_cast %scan3A_49 : i32 to index
      %swap3A_85 = arith.constant 112 : index
      %swap3A_86 = tpu.vector_load %arg5[%swap3A_84, %swap3A_85] {strides = array<i32>} : memref<128x128xf32, #tpu.memory_space<vmem>>, vector<1x16xf32>,
      %swap3A_87 = vector.shape_cast %swap3A_86 : vector<1x16xf32> to vector<16xf32>
      %swap3A_88 = vector.shape_cast %broadcast_in_dim3A_3 : vector<16xf32> to vector<1x16xf32>
      tpu.vector_store %arg5[%swap3A_84, %swap3A_85], %swap3A_88 {strides = array<i32>} : memref<128x128xf32, #tpu.memory_space<vmem>>, vector<1x16xf32>,
    }
    %scan3A_34 = arith.constant 128 : i32
    %barrier3A = arith.constant 0 : index
    tpu.barrier barrier_id(%barrier3A)
    "tpu.region"() ({
      %run_scoped3A = tpu.sem_alloc : memref<!tpu.dma_semaphore, #tpu.memory_space<semaphore_mem>>
      %dma_start3A = arith.constant 0 : i32
      %dma_start3A_49 = arith.constant 0 : i32
      %dma_start3A_50 = tpu.memref_slice %arg2[%add3A, %dma_start3A, %dma_start3A_49] : memref<32x79x128xi32, #tpu.memory_space<hbm>> -> memref<1x79x128xi32, #tpu.memory_space<hbm>>
      %dma_start3A_51 = tpu.memref_squeeze %dma_start3A_50 : memref<1x79x128xi32, #tpu.memory_space<hbm>> -> memref<79x128xi32, #tpu.memory_space<hbm>>
      %dma_start3A_52 = arith.constant 0 : i32
      %dma_start3A_53 = arith.constant 0 : i32
      %dma_start3A_54 = tpu.memref_slice %arg2[%add3A, %dma_start3A_52, %dma_start3A_53] : memref<32x79x128xi32, #tpu.memory_space<hbm>> -> memref<1x79x128xi32, #tpu.memory_space<hbm>>
      %dma_start3A_55 = tpu.memref_squeeze %dma_start3A_54 : memref<1x79x128xi32, #tpu.memory_space<hbm>> -> memref<79x128xi32, #tpu.memory_space<hbm>>
      tpu.enqueue_dma source(%dma_start3A_55 : memref<79x128xi32, #tpu.memory_space<hbm>>) target(%arg4 : memref<79x128xi32, #tpu.memory_space<vmem>>) target_semaphore(%run_scoped3A : memref<!tpu.dma_semaphore, #tpu.memory_space<semaphore_mem>>)
      %dma_wait3A = arith.constant 0 : i32
      %dma_wait3A_56 = arith.constant 0 : i32
      %dma_wait3A_57 = tpu.memref_slice %arg2[%add3A, %dma_wait3A, %dma_wait3A_56] : memref<32x79x128xi32, #tpu.memory_space<hbm>> -> memref<1x79x128xi32, #tpu.memory_space<hbm>>
      %dma_wait3A_58 = tpu.memref_squeeze %dma_wait3A_57 : memref<1x79x128xi32, #tpu.memory_space<hbm>> -> memref<79x128xi32, #tpu.memory_space<hbm>>
      %dma_wait3A_59 = arith.constant 0 : i32
      %dma_wait3A_60 = arith.constant 0 : i32
      %dma_wait3A_61 = tpu.memref_slice %arg2[%add3A, %dma_wait3A_59, %dma_wait3A_60] : memref<32x79x128xi32, #tpu.memory_space<hbm>> -> memref<1x79x128xi32, #tpu.memory_space<hbm>>
      %dma_wait3A_62 = tpu.memref_squeeze %dma_wait3A_61 : memref<1x79x128xi32, #tpu.memory_space<hbm>> -> memref<79x128xi32, #tpu.memory_space<hbm>>
      tpu.wait_dma2 semaphore(%run_scoped3A : memref<!tpu.dma_semaphore, #tpu.memory_space<semaphore_mem>>) src(%dma_wait3A_62 : memref<79x128xi32, #tpu.memory_space<hbm>>) dst(%arg4 : memref<79x128xi32, #tpu.memory_space<vmem>>)
      tpu.yield
    }) : () -> ()
    %scan3A_35 = arith.constant 0 : i32
    %scan3A_36 = arith.constant 0 : i32
    %scan3A_37 = arith.constant 79 : i32
    %scan3A_38 = arith.addi %scan3A_36, %scan3A_37 : i32
    %scan3A_39 = arith.constant 1 : i32
    scf.for %scan3A_49 = %scan3A_36 to %scan3A_38 step %scan3A_39  : i32 {
      "tpu.region"() ({
        %run_scoped3A = tpu.sem_alloc : memref<!tpu.dma_semaphore, #tpu.memory_space<semaphore_mem>>
        %dma_start3A = arith.constant 0 : i32
        %dma_start3A_50 = tpu.memref_slice %arg4[%scan3A_49, %dma_start3A] : memref<79x128xi32, #tpu.memory_space<vmem>> -> memref<1x128xi32, #tpu.memory_space<vmem>>
        %dma_start3A_51 = tpu.memref_squeeze %dma_start3A_50 : memref<1x128xi32, #tpu.memory_space<vmem>> -> memref<128xi32, #tpu.memory_space<vmem>>
        %dma_start3A_52 = arith.constant 0 : i32
        %dma_start3A_53 = arith.constant 0 : i32
        %dma_start3A_54 = tpu.memref_slice %arg6[%dma_start3A_52, %dma_start3A_53] : memref<10240x128xf32, #tpu.memory_space<vmem_shared>> -> memref<10240x128xf32, #tpu.memory_space<vmem_shared>>
        tpu.enqueue_indirect_dma source(%arg5 : memref<128x128xf32, #tpu.memory_space<vmem>>) target(%dma_start3A_54 : memref<10240x128xf32, #tpu.memory_space<vmem_shared>>) offsets(%dma_start3A_51 : memref<128xi32, #tpu.memory_space<vmem>>) semaphore(%run_scoped3A : memref<!tpu.dma_semaphore, #tpu.memory_space<semaphore_mem>>) {add = true}
        %dma_wait3A = arith.constant 0 : i32
        %dma_wait3A_55 = tpu.memref_slice %arg4[%scan3A_49, %dma_wait3A] : memref<79x128xi32, #tpu.memory_space<vmem>> -> memref<1x128xi32, #tpu.memory_space<vmem>>
        %dma_wait3A_56 = tpu.memref_squeeze %dma_wait3A_55 : memref<1x128xi32, #tpu.memory_space<vmem>> -> memref<128xi32, #tpu.memory_space<vmem>>
        %dma_wait3A_57 = arith.constant 0 : i32
        %dma_wait3A_58 = arith.constant 0 : i32
        %dma_wait3A_59 = tpu.memref_slice %arg6[%dma_wait3A_57, %dma_wait3A_58] : memref<10240x128xf32, #tpu.memory_space<vmem_shared>> -> memref<10240x128xf32, #tpu.memory_space<vmem_shared>>
        tpu.wait_indirect_dma semaphore(%run_scoped3A : memref<!tpu.dma_semaphore, #tpu.memory_space<semaphore_mem>>) src(%arg5 : memref<128x128xf32, #tpu.memory_space<vmem>>) dst(%dma_wait3A_59 : memref<10240x128xf32, #tpu.memory_space<vmem_shared>>)
        tpu.yield
      }) : () -> ()
    }
    %scan3A_40 = arith.constant 79 : i32
    %barrier3A_41 = arith.constant 0 : index
    tpu.barrier barrier_id(%barrier3A_41)
    %mul3A_42 = arith.constant 640 : i32
    %mul3A_43 = arith.muli %arg1, %mul3A_42 : i32
    %mul3A_44 = arith.constant 10240 : i32
    %mul3A_45 = arith.muli %arg0, %mul3A_44 : i32
    %mul3A_46 = arith.constant 640 : i32
    %mul3A_47 = arith.muli %arg1, %mul3A_46 : i32
    %add3A_48 = arith.addi %mul3A_45, %mul3A_47 : i32
    "tpu.region"() ({
      %run_scoped3A = tpu.sem_alloc : memref<!tpu.dma_semaphore, #tpu.memory_space<semaphore_mem>>
      %dma_start3A = arith.constant 0 : i32
      %dma_start3A_49 = tpu.memref_slice %arg3[%add3A_48, %dma_start3A] : memref<20480x128xf32, #tpu.memory_space<hbm>> -> memref<640x128xf32, #tpu.memory_space<hbm>>
      %dma_start3A_50 = arith.constant 0 : i32
      %dma_start3A_51 = tpu.memref_slice %arg6[%mul3A_43, %dma_start3A_50] : memref<10240x128xf32, #tpu.memory_space<vmem_shared>> -> memref<640x128xf32, #tpu.memory_space<vmem_shared>>
      tpu.enqueue_dma source(%dma_start3A_51 : memref<640x128xf32, #tpu.memory_space<vmem_shared>>) target(%dma_start3A_49 : memref<640x128xf32, #tpu.memory_space<hbm>>) target_semaphore(%run_scoped3A : memref<!tpu.dma_semaphore, #tpu.memory_space<semaphore_mem>>)
      %dma_wait3A = arith.constant 0 : i32
      %dma_wait3A_52 = tpu.memref_slice %arg3[%add3A_48, %dma_wait3A] : memref<20480x128xf32, #tpu.memory_space<hbm>> -> memref<640x128xf32, #tpu.memory_space<hbm>>
      %dma_wait3A_53 = arith.constant 0 : i32
      %dma_wait3A_54 = tpu.memref_slice %arg6[%mul3A_43, %dma_wait3A_53] : memref<10240x128xf32, #tpu.memory_space<vmem_shared>> -> memref<640x128xf32, #tpu.memory_space<vmem_shared>>
      tpu.wait_dma2 semaphore(%run_scoped3A : memref<!tpu.dma_semaphore, #tpu.memory_space<semaphore_mem>>) src(%dma_wait3A_54 : memref<640x128xf32, #tpu.memory_space<vmem_shared>>) dst(%dma_wait3A_52 : memref<640x128xf32, #tpu.memory_space<hbm>>)
      tpu.yield
    }) : () -> ()
    return
  }
}

#map = affine_map<(d0, d1) -> (0, 0)>
#map1 = affine_map<(d0, d1) -> (0, 0, 0)>
module attributes {stable_mosaic.version = 14 : i64} {
  func.func @_agg_body(%arg0: i32, %arg1: i32, %arg2: memref<10000x128xf32, #tpu.memory_space<hbm>>, %arg3: memref<32x79x128xi32, #tpu.memory_space<hbm>>, %arg4: memref<32x79x128xi32, #tpu.memory_space<hbm>>, %arg5: memref<20480x128xf32, #tpu.memory_space<hbm>>, %arg6: memref<79x128xi32, #tpu.memory_space<vmem>>, %arg7: memref<79x128xi32, #tpu.memory_space<vmem>>, %arg8: memref<128x128xf32, #tpu.memory_space<vmem>>, %arg9: memref<10240x128xf32, #tpu.memory_space<vmem_shared>>) attributes {dimension_semantics = [#tpu.dimension_semantics<core_parallel>, #tpu.dimension_semantics<subcore_parallel>], iteration_bounds = array<i64: 2, 16>, scalar_prefetch = 0 : i64, scratch_operands = 4 : i64, tpu.core_type = #tpu.core_type<sc_vector_subcore>, window_params = [{transform_indices = #map}, {transform_indices = #map1}, {transform_indices = #map1}, {transform_indices = #map}]} {
    %mul3A = arith.constant 2 : i32
    %mul3A_0 = arith.muli %arg1, %mul3A : i32
    %add3A = arith.addi %mul3A_0, %arg0 : i32
    %broadcast_in_dim3A = arith.constant 0.000000e+00 : f32
    %broadcast_in_dim3A_1 = vector.broadcast %broadcast_in_dim3A : f32 to vector<16xf32>
    %scan3A = arith.constant 0 : i32
    %scan3A_2 = arith.constant 0 : i32
    %scan3A_3 = arith.constant 128 : i32
    %scan3A_4 = arith.addi %scan3A_2, %scan3A_3 : i32
    %scan3A_5 = arith.constant 1 : i32
    scf.for %scan3A_41 = %scan3A_2 to %scan3A_4 step %scan3A_5  : i32 {
      %swap3A = arith.index_cast %scan3A_41 : i32 to index
      %swap3A_42 = arith.constant 0 : index
      %swap3A_43 = tpu.vector_load %arg8[%swap3A, %swap3A_42] {strides = array<i32>} : memref<128x128xf32, #tpu.memory_space<vmem>>, vector<1x16xf32>,
      %swap3A_44 = vector.shape_cast %swap3A_43 : vector<1x16xf32> to vector<16xf32>
      %swap3A_45 = vector.shape_cast %broadcast_in_dim3A_1 : vector<16xf32> to vector<1x16xf32>
      tpu.vector_store %arg8[%swap3A, %swap3A_42], %swap3A_45 {strides = array<i32>} : memref<128x128xf32, #tpu.memory_space<vmem>>, vector<1x16xf32>,
      %swap3A_46 = arith.index_cast %scan3A_41 : i32 to index
      %swap3A_47 = arith.constant 16 : index
      %swap3A_48 = tpu.vector_load %arg8[%swap3A_46, %swap3A_47] {strides = array<i32>} : memref<128x128xf32, #tpu.memory_space<vmem>>, vector<1x16xf32>,
      %swap3A_49 = vector.shape_cast %swap3A_48 : vector<1x16xf32> to vector<16xf32>
      %swap3A_50 = vector.shape_cast %broadcast_in_dim3A_1 : vector<16xf32> to vector<1x16xf32>
      tpu.vector_store %arg8[%swap3A_46, %swap3A_47], %swap3A_50 {strides = array<i32>} : memref<128x128xf32, #tpu.memory_space<vmem>>, vector<1x16xf32>,
      %swap3A_51 = arith.index_cast %scan3A_41 : i32 to index
      %swap3A_52 = arith.constant 32 : index
      %swap3A_53 = tpu.vector_load %arg8[%swap3A_51, %swap3A_52] {strides = array<i32>} : memref<128x128xf32, #tpu.memory_space<vmem>>, vector<1x16xf32>,
      %swap3A_54 = vector.shape_cast %swap3A_53 : vector<1x16xf32> to vector<16xf32>
      %swap3A_55 = vector.shape_cast %broadcast_in_dim3A_1 : vector<16xf32> to vector<1x16xf32>
      tpu.vector_store %arg8[%swap3A_51, %swap3A_52], %swap3A_55 {strides = array<i32>} : memref<128x128xf32, #tpu.memory_space<vmem>>, vector<1x16xf32>,
      %swap3A_56 = arith.index_cast %scan3A_41 : i32 to index
      %swap3A_57 = arith.constant 48 : index
      %swap3A_58 = tpu.vector_load %arg8[%swap3A_56, %swap3A_57] {strides = array<i32>} : memref<128x128xf32, #tpu.memory_space<vmem>>, vector<1x16xf32>,
      %swap3A_59 = vector.shape_cast %swap3A_58 : vector<1x16xf32> to vector<16xf32>
      %swap3A_60 = vector.shape_cast %broadcast_in_dim3A_1 : vector<16xf32> to vector<1x16xf32>
      tpu.vector_store %arg8[%swap3A_56, %swap3A_57], %swap3A_60 {strides = array<i32>} : memref<128x128xf32, #tpu.memory_space<vmem>>, vector<1x16xf32>,
      %swap3A_61 = arith.index_cast %scan3A_41 : i32 to index
      %swap3A_62 = arith.constant 64 : index
      %swap3A_63 = tpu.vector_load %arg8[%swap3A_61, %swap3A_62] {strides = array<i32>} : memref<128x128xf32, #tpu.memory_space<vmem>>, vector<1x16xf32>,
      %swap3A_64 = vector.shape_cast %swap3A_63 : vector<1x16xf32> to vector<16xf32>
      %swap3A_65 = vector.shape_cast %broadcast_in_dim3A_1 : vector<16xf32> to vector<1x16xf32>
      tpu.vector_store %arg8[%swap3A_61, %swap3A_62], %swap3A_65 {strides = array<i32>} : memref<128x128xf32, #tpu.memory_space<vmem>>, vector<1x16xf32>,
      %swap3A_66 = arith.index_cast %scan3A_41 : i32 to index
      %swap3A_67 = arith.constant 80 : index
      %swap3A_68 = tpu.vector_load %arg8[%swap3A_66, %swap3A_67] {strides = array<i32>} : memref<128x128xf32, #tpu.memory_space<vmem>>, vector<1x16xf32>,
      %swap3A_69 = vector.shape_cast %swap3A_68 : vector<1x16xf32> to vector<16xf32>
      %swap3A_70 = vector.shape_cast %broadcast_in_dim3A_1 : vector<16xf32> to vector<1x16xf32>
      tpu.vector_store %arg8[%swap3A_66, %swap3A_67], %swap3A_70 {strides = array<i32>} : memref<128x128xf32, #tpu.memory_space<vmem>>, vector<1x16xf32>,
      %swap3A_71 = arith.index_cast %scan3A_41 : i32 to index
      %swap3A_72 = arith.constant 96 : index
      %swap3A_73 = tpu.vector_load %arg8[%swap3A_71, %swap3A_72] {strides = array<i32>} : memref<128x128xf32, #tpu.memory_space<vmem>>, vector<1x16xf32>,
      %swap3A_74 = vector.shape_cast %swap3A_73 : vector<1x16xf32> to vector<16xf32>
      %swap3A_75 = vector.shape_cast %broadcast_in_dim3A_1 : vector<16xf32> to vector<1x16xf32>
      tpu.vector_store %arg8[%swap3A_71, %swap3A_72], %swap3A_75 {strides = array<i32>} : memref<128x128xf32, #tpu.memory_space<vmem>>, vector<1x16xf32>,
      %swap3A_76 = arith.index_cast %scan3A_41 : i32 to index
      %swap3A_77 = arith.constant 112 : index
      %swap3A_78 = tpu.vector_load %arg8[%swap3A_76, %swap3A_77] {strides = array<i32>} : memref<128x128xf32, #tpu.memory_space<vmem>>, vector<1x16xf32>,
      %swap3A_79 = vector.shape_cast %swap3A_78 : vector<1x16xf32> to vector<16xf32>
      %swap3A_80 = vector.shape_cast %broadcast_in_dim3A_1 : vector<16xf32> to vector<1x16xf32>
      tpu.vector_store %arg8[%swap3A_76, %swap3A_77], %swap3A_80 {strides = array<i32>} : memref<128x128xf32, #tpu.memory_space<vmem>>, vector<1x16xf32>,
    }
    %scan3A_6 = arith.constant 128 : i32
    %mul3A_7 = arith.constant 640 : i32
    %mul3A_8 = arith.muli %arg1, %mul3A_7 : i32
    %add3A_9 = arith.constant 0 : i32
    %add3A_10 = arith.addi %mul3A_8, %add3A_9 : i32
    "tpu.region"() ({
      %run_scoped3A = tpu.sem_alloc : memref<!tpu.dma_semaphore, #tpu.memory_space<semaphore_mem>>
      %dma_start3A = arith.constant 0 : i32
      %dma_start3A_41 = tpu.memref_slice %arg9[%add3A_10, %dma_start3A] : memref<10240x128xf32, #tpu.memory_space<vmem_shared>> -> memref<128x128xf32, #tpu.memory_space<vmem_shared>>
      %dma_start3A_42 = arith.constant 0 : i32
      %dma_start3A_43 = tpu.memref_slice %arg9[%add3A_10, %dma_start3A_42] : memref<10240x128xf32, #tpu.memory_space<vmem_shared>> -> memref<128x128xf32, #tpu.memory_space<vmem_shared>>
      tpu.enqueue_dma source(%arg8 : memref<128x128xf32, #tpu.memory_space<vmem>>) target(%dma_start3A_43 : memref<128x128xf32, #tpu.memory_space<vmem_shared>>) target_semaphore(%run_scoped3A : memref<!tpu.dma_semaphore, #tpu.memory_space<semaphore_mem>>)
      %dma_wait3A = arith.constant 0 : i32
      %dma_wait3A_44 = tpu.memref_slice %arg9[%add3A_10, %dma_wait3A] : memref<10240x128xf32, #tpu.memory_space<vmem_shared>> -> memref<128x128xf32, #tpu.memory_space<vmem_shared>>
      %dma_wait3A_45 = arith.constant 0 : i32
      %dma_wait3A_46 = tpu.memref_slice %arg9[%add3A_10, %dma_wait3A_45] : memref<10240x128xf32, #tpu.memory_space<vmem_shared>> -> memref<128x128xf32, #tpu.memory_space<vmem_shared>>
      tpu.wait_dma2 semaphore(%run_scoped3A : memref<!tpu.dma_semaphore, #tpu.memory_space<semaphore_mem>>) src(%arg8 : memref<128x128xf32, #tpu.memory_space<vmem>>) dst(%dma_wait3A_46 : memref<128x128xf32, #tpu.memory_space<vmem_shared>>)
      tpu.yield
    }) : () -> ()
    %mul3A_11 = arith.constant 640 : i32
    %mul3A_12 = arith.muli %arg1, %mul3A_11 : i32
    %add3A_13 = arith.constant 128 : i32
    %add3A_14 = arith.addi %mul3A_12, %add3A_13 : i32
    "tpu.region"() ({
      %run_scoped3A = tpu.sem_alloc : memref<!tpu.dma_semaphore, #tpu.memory_space<semaphore_mem>>
      %dma_start3A = arith.constant 0 : i32
      %dma_start3A_41 = tpu.memref_slice %arg9[%add3A_14, %dma_start3A] : memref<10240x128xf32, #tpu.memory_space<vmem_shared>> -> memref<128x128xf32, #tpu.memory_space<vmem_shared>>
      %dma_start3A_42 = arith.constant 0 : i32
      %dma_start3A_43 = tpu.memref_slice %arg9[%add3A_14, %dma_start3A_42] : memref<10240x128xf32, #tpu.memory_space<vmem_shared>> -> memref<128x128xf32, #tpu.memory_space<vmem_shared>>
      tpu.enqueue_dma source(%arg8 : memref<128x128xf32, #tpu.memory_space<vmem>>) target(%dma_start3A_43 : memref<128x128xf32, #tpu.memory_space<vmem_shared>>) target_semaphore(%run_scoped3A : memref<!tpu.dma_semaphore, #tpu.memory_space<semaphore_mem>>)
      %dma_wait3A = arith.constant 0 : i32
      %dma_wait3A_44 = tpu.memref_slice %arg9[%add3A_14, %dma_wait3A] : memref<10240x128xf32, #tpu.memory_space<vmem_shared>> -> memref<128x128xf32, #tpu.memory_space<vmem_shared>>
      %dma_wait3A_45 = arith.constant 0 : i32
      %dma_wait3A_46 = tpu.memref_slice %arg9[%add3A_14, %dma_wait3A_45] : memref<10240x128xf32, #tpu.memory_space<vmem_shared>> -> memref<128x128xf32, #tpu.memory_space<vmem_shared>>
      tpu.wait_dma2 semaphore(%run_scoped3A : memref<!tpu.dma_semaphore, #tpu.memory_space<semaphore_mem>>) src(%arg8 : memref<128x128xf32, #tpu.memory_space<vmem>>) dst(%dma_wait3A_46 : memref<128x128xf32, #tpu.memory_space<vmem_shared>>)
      tpu.yield
    }) : () -> ()
    %mul3A_15 = arith.constant 640 : i32
    %mul3A_16 = arith.muli %arg1, %mul3A_15 : i32
    %add3A_17 = arith.constant 256 : i32
    %add3A_18 = arith.addi %mul3A_16, %add3A_17 : i32
    "tpu.region"() ({
      %run_scoped3A = tpu.sem_alloc : memref<!tpu.dma_semaphore, #tpu.memory_space<semaphore_mem>>
      %dma_start3A = arith.constant 0 : i32
      %dma_start3A_41 = tpu.memref_slice %arg9[%add3A_18, %dma_start3A] : memref<10240x128xf32, #tpu.memory_space<vmem_shared>> -> memref<128x128xf32, #tpu.memory_space<vmem_shared>>
      %dma_start3A_42 = arith.constant 0 : i32
      %dma_start3A_43 = tpu.memref_slice %arg9[%add3A_18, %dma_start3A_42] : memref<10240x128xf32, #tpu.memory_space<vmem_shared>> -> memref<128x128xf32, #tpu.memory_space<vmem_shared>>
      tpu.enqueue_dma source(%arg8 : memref<128x128xf32, #tpu.memory_space<vmem>>) target(%dma_start3A_43 : memref<128x128xf32, #tpu.memory_space<vmem_shared>>) target_semaphore(%run_scoped3A : memref<!tpu.dma_semaphore, #tpu.memory_space<semaphore_mem>>)
      %dma_wait3A = arith.constant 0 : i32
      %dma_wait3A_44 = tpu.memref_slice %arg9[%add3A_18, %dma_wait3A] : memref<10240x128xf32, #tpu.memory_space<vmem_shared>> -> memref<128x128xf32, #tpu.memory_space<vmem_shared>>
      %dma_wait3A_45 = arith.constant 0 : i32
      %dma_wait3A_46 = tpu.memref_slice %arg9[%add3A_18, %dma_wait3A_45] : memref<10240x128xf32, #tpu.memory_space<vmem_shared>> -> memref<128x128xf32, #tpu.memory_space<vmem_shared>>
      tpu.wait_dma2 semaphore(%run_scoped3A : memref<!tpu.dma_semaphore, #tpu.memory_space<semaphore_mem>>) src(%arg8 : memref<128x128xf32, #tpu.memory_space<vmem>>) dst(%dma_wait3A_46 : memref<128x128xf32, #tpu.memory_space<vmem_shared>>)
      tpu.yield
    }) : () -> ()
    %mul3A_19 = arith.constant 640 : i32
    %mul3A_20 = arith.muli %arg1, %mul3A_19 : i32
    %add3A_21 = arith.constant 384 : i32
    %add3A_22 = arith.addi %mul3A_20, %add3A_21 : i32
    "tpu.region"() ({
      %run_scoped3A = tpu.sem_alloc : memref<!tpu.dma_semaphore, #tpu.memory_space<semaphore_mem>>
      %dma_start3A = arith.constant 0 : i32
      %dma_start3A_41 = tpu.memref_slice %arg9[%add3A_22, %dma_start3A] : memref<10240x128xf32, #tpu.memory_space<vmem_shared>> -> memref<128x128xf32, #tpu.memory_space<vmem_shared>>
      %dma_start3A_42 = arith.constant 0 : i32
      %dma_start3A_43 = tpu.memref_slice %arg9[%add3A_22, %dma_start3A_42] : memref<10240x128xf32, #tpu.memory_space<vmem_shared>> -> memref<128x128xf32, #tpu.memory_space<vmem_shared>>
      tpu.enqueue_dma source(%arg8 : memref<128x128xf32, #tpu.memory_space<vmem>>) target(%dma_start3A_43 : memref<128x128xf32, #tpu.memory_space<vmem_shared>>) target_semaphore(%run_scoped3A : memref<!tpu.dma_semaphore, #tpu.memory_space<semaphore_mem>>)
      %dma_wait3A = arith.constant 0 : i32
      %dma_wait3A_44 = tpu.memref_slice %arg9[%add3A_22, %dma_wait3A] : memref<10240x128xf32, #tpu.memory_space<vmem_shared>> -> memref<128x128xf32, #tpu.memory_space<vmem_shared>>
      %dma_wait3A_45 = arith.constant 0 : i32
      %dma_wait3A_46 = tpu.memref_slice %arg9[%add3A_22, %dma_wait3A_45] : memref<10240x128xf32, #tpu.memory_space<vmem_shared>> -> memref<128x128xf32, #tpu.memory_space<vmem_shared>>
      tpu.wait_dma2 semaphore(%run_scoped3A : memref<!tpu.dma_semaphore, #tpu.memory_space<semaphore_mem>>) src(%arg8 : memref<128x128xf32, #tpu.memory_space<vmem>>) dst(%dma_wait3A_46 : memref<128x128xf32, #tpu.memory_space<vmem_shared>>)
      tpu.yield
    }) : () -> ()
    %mul3A_23 = arith.constant 640 : i32
    %mul3A_24 = arith.muli %arg1, %mul3A_23 : i32
    %add3A_25 = arith.constant 512 : i32
    %add3A_26 = arith.addi %mul3A_24, %add3A_25 : i32
    "tpu.region"() ({
      %run_scoped3A = tpu.sem_alloc : memref<!tpu.dma_semaphore, #tpu.memory_space<semaphore_mem>>
      %dma_start3A = arith.constant 0 : i32
      %dma_start3A_41 = tpu.memref_slice %arg9[%add3A_26, %dma_start3A] : memref<10240x128xf32, #tpu.memory_space<vmem_shared>> -> memref<128x128xf32, #tpu.memory_space<vmem_shared>>
      %dma_start3A_42 = arith.constant 0 : i32
      %dma_start3A_43 = tpu.memref_slice %arg9[%add3A_26, %dma_start3A_42] : memref<10240x128xf32, #tpu.memory_space<vmem_shared>> -> memref<128x128xf32, #tpu.memory_space<vmem_shared>>
      tpu.enqueue_dma source(%arg8 : memref<128x128xf32, #tpu.memory_space<vmem>>) target(%dma_start3A_43 : memref<128x128xf32, #tpu.memory_space<vmem_shared>>) target_semaphore(%run_scoped3A : memref<!tpu.dma_semaphore, #tpu.memory_space<semaphore_mem>>)
      %dma_wait3A = arith.constant 0 : i32
      %dma_wait3A_44 = tpu.memref_slice %arg9[%add3A_26, %dma_wait3A] : memref<10240x128xf32, #tpu.memory_space<vmem_shared>> -> memref<128x128xf32, #tpu.memory_space<vmem_shared>>
      %dma_wait3A_45 = arith.constant 0 : i32
      %dma_wait3A_46 = tpu.memref_slice %arg9[%add3A_26, %dma_wait3A_45] : memref<10240x128xf32, #tpu.memory_space<vmem_shared>> -> memref<128x128xf32, #tpu.memory_space<vmem_shared>>
      tpu.wait_dma2 semaphore(%run_scoped3A : memref<!tpu.dma_semaphore, #tpu.memory_space<semaphore_mem>>) src(%arg8 : memref<128x128xf32, #tpu.memory_space<vmem>>) dst(%dma_wait3A_46 : memref<128x128xf32, #tpu.memory_space<vmem_shared>>)
      tpu.yield
    }) : () -> ()
    %barrier3A = arith.constant 0 : index
    tpu.barrier barrier_id(%barrier3A)
    "tpu.region"() ({
      %run_scoped3A = tpu.sem_alloc : memref<!tpu.dma_semaphore, #tpu.memory_space<semaphore_mem>>
      %dma_start3A = arith.constant 0 : i32
      %dma_start3A_41 = arith.constant 0 : i32
      %dma_start3A_42 = tpu.memref_slice %arg3[%add3A, %dma_start3A, %dma_start3A_41] : memref<32x79x128xi32, #tpu.memory_space<hbm>> -> memref<1x79x128xi32, #tpu.memory_space<hbm>>
      %dma_start3A_43 = tpu.memref_squeeze %dma_start3A_42 : memref<1x79x128xi32, #tpu.memory_space<hbm>> -> memref<79x128xi32, #tpu.memory_space<hbm>>
      %dma_start3A_44 = arith.constant 0 : i32
      %dma_start3A_45 = arith.constant 0 : i32
      %dma_start3A_46 = tpu.memref_slice %arg3[%add3A, %dma_start3A_44, %dma_start3A_45] : memref<32x79x128xi32, #tpu.memory_space<hbm>> -> memref<1x79x128xi32, #tpu.memory_space<hbm>>
      %dma_start3A_47 = tpu.memref_squeeze %dma_start3A_46 : memref<1x79x128xi32, #tpu.memory_space<hbm>> -> memref<79x128xi32, #tpu.memory_space<hbm>>
      tpu.enqueue_dma source(%dma_start3A_47 : memref<79x128xi32, #tpu.memory_space<hbm>>) target(%arg6 : memref<79x128xi32, #tpu.memory_space<vmem>>) target_semaphore(%run_scoped3A : memref<!tpu.dma_semaphore, #tpu.memory_space<semaphore_mem>>)
      %dma_wait3A = arith.constant 0 : i32
      %dma_wait3A_48 = arith.constant 0 : i32
      %dma_wait3A_49 = tpu.memref_slice %arg3[%add3A, %dma_wait3A, %dma_wait3A_48] : memref<32x79x128xi32, #tpu.memory_space<hbm>> -> memref<1x79x128xi32, #tpu.memory_space<hbm>>
      %dma_wait3A_50 = tpu.memref_squeeze %dma_wait3A_49 : memref<1x79x128xi32, #tpu.memory_space<hbm>> -> memref<79x128xi32, #tpu.memory_space<hbm>>
      %dma_wait3A_51 = arith.constant 0 : i32
      %dma_wait3A_52 = arith.constant 0 : i32
      %dma_wait3A_53 = tpu.memref_slice %arg3[%add3A, %dma_wait3A_51, %dma_wait3A_52] : memref<32x79x128xi32, #tpu.memory_space<hbm>> -> memref<1x79x128xi32, #tpu.memory_space<hbm>>
      %dma_wait3A_54 = tpu.memref_squeeze %dma_wait3A_53 : memref<1x79x128xi32, #tpu.memory_space<hbm>> -> memref<79x128xi32, #tpu.memory_space<hbm>>
      tpu.wait_dma2 semaphore(%run_scoped3A : memref<!tpu.dma_semaphore, #tpu.memory_space<semaphore_mem>>) src(%dma_wait3A_54 : memref<79x128xi32, #tpu.memory_space<hbm>>) dst(%arg6 : memref<79x128xi32, #tpu.memory_space<vmem>>)
      tpu.yield
    }) : () -> ()
    "tpu.region"() ({
      %run_scoped3A = tpu.sem_alloc : memref<!tpu.dma_semaphore, #tpu.memory_space<semaphore_mem>>
      %dma_start3A = arith.constant 0 : i32
      %dma_start3A_41 = arith.constant 0 : i32
      %dma_start3A_42 = tpu.memref_slice %arg4[%add3A, %dma_start3A, %dma_start3A_41] : memref<32x79x128xi32, #tpu.memory_space<hbm>> -> memref<1x79x128xi32, #tpu.memory_space<hbm>>
      %dma_start3A_43 = tpu.memref_squeeze %dma_start3A_42 : memref<1x79x128xi32, #tpu.memory_space<hbm>> -> memref<79x128xi32, #tpu.memory_space<hbm>>
      %dma_start3A_44 = arith.constant 0 : i32
      %dma_start3A_45 = arith.constant 0 : i32
      %dma_start3A_46 = tpu.memref_slice %arg4[%add3A, %dma_start3A_44, %dma_start3A_45] : memref<32x79x128xi32, #tpu.memory_space<hbm>> -> memref<1x79x128xi32, #tpu.memory_space<hbm>>
      %dma_start3A_47 = tpu.memref_squeeze %dma_start3A_46 : memref<1x79x128xi32, #tpu.memory_space<hbm>> -> memref<79x128xi32, #tpu.memory_space<hbm>>
      tpu.enqueue_dma source(%dma_start3A_47 : memref<79x128xi32, #tpu.memory_space<hbm>>) target(%arg7 : memref<79x128xi32, #tpu.memory_space<vmem>>) target_semaphore(%run_scoped3A : memref<!tpu.dma_semaphore, #tpu.memory_space<semaphore_mem>>)
      %dma_wait3A = arith.constant 0 : i32
      %dma_wait3A_48 = arith.constant 0 : i32
      %dma_wait3A_49 = tpu.memref_slice %arg4[%add3A, %dma_wait3A, %dma_wait3A_48] : memref<32x79x128xi32, #tpu.memory_space<hbm>> -> memref<1x79x128xi32, #tpu.memory_space<hbm>>
      %dma_wait3A_50 = tpu.memref_squeeze %dma_wait3A_49 : memref<1x79x128xi32, #tpu.memory_space<hbm>> -> memref<79x128xi32, #tpu.memory_space<hbm>>
      %dma_wait3A_51 = arith.constant 0 : i32
      %dma_wait3A_52 = arith.constant 0 : i32
      %dma_wait3A_53 = tpu.memref_slice %arg4[%add3A, %dma_wait3A_51, %dma_wait3A_52] : memref<32x79x128xi32, #tpu.memory_space<hbm>> -> memref<1x79x128xi32, #tpu.memory_space<hbm>>
      %dma_wait3A_54 = tpu.memref_squeeze %dma_wait3A_53 : memref<1x79x128xi32, #tpu.memory_space<hbm>> -> memref<79x128xi32, #tpu.memory_space<hbm>>
      tpu.wait_dma2 semaphore(%run_scoped3A : memref<!tpu.dma_semaphore, #tpu.memory_space<semaphore_mem>>) src(%dma_wait3A_54 : memref<79x128xi32, #tpu.memory_space<hbm>>) dst(%arg7 : memref<79x128xi32, #tpu.memory_space<vmem>>)
      tpu.yield
    }) : () -> ()
    %scan3A_27 = arith.constant 0 : i32
    %scan3A_28 = arith.constant 0 : i32
    %scan3A_29 = arith.constant 79 : i32
    %scan3A_30 = arith.addi %scan3A_28, %scan3A_29 : i32
    %scan3A_31 = arith.constant 1 : i32
    scf.for %scan3A_41 = %scan3A_28 to %scan3A_30 step %scan3A_31  : i32 {
      "tpu.region"() ({
        %run_scoped3A = tpu.sem_alloc : memref<!tpu.dma_semaphore, #tpu.memory_space<semaphore_mem>>
        %dma_start3A = arith.constant 0 : i32
        %dma_start3A_42 = tpu.memref_slice %arg6[%scan3A_41, %dma_start3A] : memref<79x128xi32, #tpu.memory_space<vmem>> -> memref<1x128xi32, #tpu.memory_space<vmem>>
        %dma_start3A_43 = tpu.memref_squeeze %dma_start3A_42 : memref<1x128xi32, #tpu.memory_space<vmem>> -> memref<128xi32, #tpu.memory_space<vmem>>
        %dma_start3A_44 = arith.constant 0 : i32
        %dma_start3A_45 = arith.constant 0 : i32
        %dma_start3A_46 = tpu.memref_slice %arg2[%dma_start3A_44, %dma_start3A_45] : memref<10000x128xf32, #tpu.memory_space<hbm>> -> memref<10000x128xf32, #tpu.memory_space<hbm>>
        tpu.enqueue_indirect_dma source(%dma_start3A_46 : memref<10000x128xf32, #tpu.memory_space<hbm>>) target(%arg8 : memref<128x128xf32, #tpu.memory_space<vmem>>) offsets(%dma_start3A_43 : memref<128xi32, #tpu.memory_space<vmem>>) semaphore(%run_scoped3A : memref<!tpu.dma_semaphore, #tpu.memory_space<semaphore_mem>>)
        %dma_wait3A = arith.constant 0 : i32
        %dma_wait3A_47 = tpu.memref_slice %arg6[%scan3A_41, %dma_wait3A] : memref<79x128xi32, #tpu.memory_space<vmem>> -> memref<1x128xi32, #tpu.memory_space<vmem>>
        %dma_wait3A_48 = tpu.memref_squeeze %dma_wait3A_47 : memref<1x128xi32, #tpu.memory_space<vmem>> -> memref<128xi32, #tpu.memory_space<vmem>>
        %dma_wait3A_49 = arith.constant 0 : i32
        %dma_wait3A_50 = arith.constant 0 : i32
        %dma_wait3A_51 = tpu.memref_slice %arg2[%dma_wait3A_49, %dma_wait3A_50] : memref<10000x128xf32, #tpu.memory_space<hbm>> -> memref<10000x128xf32, #tpu.memory_space<hbm>>
        tpu.wait_indirect_dma semaphore(%run_scoped3A : memref<!tpu.dma_semaphore, #tpu.memory_space<semaphore_mem>>) src(%dma_wait3A_51 : memref<10000x128xf32, #tpu.memory_space<hbm>>) dst(%arg8 : memref<128x128xf32, #tpu.memory_space<vmem>>)
        tpu.yield
      }) : () -> ()
      "tpu.region"() ({
        %run_scoped3A = tpu.sem_alloc : memref<!tpu.dma_semaphore, #tpu.memory_space<semaphore_mem>>
        %dma_start3A = arith.constant 0 : i32
        %dma_start3A_42 = tpu.memref_slice %arg7[%scan3A_41, %dma_start3A] : memref<79x128xi32, #tpu.memory_space<vmem>> -> memref<1x128xi32, #tpu.memory_space<vmem>>
        %dma_start3A_43 = tpu.memref_squeeze %dma_start3A_42 : memref<1x128xi32, #tpu.memory_space<vmem>> -> memref<128xi32, #tpu.memory_space<vmem>>
        %dma_start3A_44 = arith.constant 0 : i32
        %dma_start3A_45 = arith.constant 0 : i32
        %dma_start3A_46 = tpu.memref_slice %arg9[%dma_start3A_44, %dma_start3A_45] : memref<10240x128xf32, #tpu.memory_space<vmem_shared>> -> memref<10240x128xf32, #tpu.memory_space<vmem_shared>>
        tpu.enqueue_indirect_dma source(%arg8 : memref<128x128xf32, #tpu.memory_space<vmem>>) target(%dma_start3A_46 : memref<10240x128xf32, #tpu.memory_space<vmem_shared>>) offsets(%dma_start3A_43 : memref<128xi32, #tpu.memory_space<vmem>>) semaphore(%run_scoped3A : memref<!tpu.dma_semaphore, #tpu.memory_space<semaphore_mem>>) {add = true}
        %dma_wait3A = arith.constant 0 : i32
        %dma_wait3A_47 = tpu.memref_slice %arg7[%scan3A_41, %dma_wait3A] : memref<79x128xi32, #tpu.memory_space<vmem>> -> memref<1x128xi32, #tpu.memory_space<vmem>>
        %dma_wait3A_48 = tpu.memref_squeeze %dma_wait3A_47 : memref<1x128xi32, #tpu.memory_space<vmem>> -> memref<128xi32, #tpu.memory_space<vmem>>
        %dma_wait3A_49 = arith.constant 0 : i32
        %dma_wait3A_50 = arith.constant 0 : i32
        %dma_wait3A_51 = tpu.memref_slice %arg9[%dma_wait3A_49, %dma_wait3A_50] : memref<10240x128xf32, #tpu.memory_space<vmem_shared>> -> memref<10240x128xf32, #tpu.memory_space<vmem_shared>>
        tpu.wait_indirect_dma semaphore(%run_scoped3A : memref<!tpu.dma_semaphore, #tpu.memory_space<semaphore_mem>>) src(%arg8 : memref<128x128xf32, #tpu.memory_space<vmem>>) dst(%dma_wait3A_51 : memref<10240x128xf32, #tpu.memory_space<vmem_shared>>)
        tpu.yield
      }) : () -> ()
    }
    %scan3A_32 = arith.constant 79 : i32
    %barrier3A_33 = arith.constant 0 : index
    tpu.barrier barrier_id(%barrier3A_33)
    %mul3A_34 = arith.constant 640 : i32
    %mul3A_35 = arith.muli %arg1, %mul3A_34 : i32
    %mul3A_36 = arith.constant 10240 : i32
    %mul3A_37 = arith.muli %arg0, %mul3A_36 : i32
    %mul3A_38 = arith.constant 640 : i32
    %mul3A_39 = arith.muli %arg1, %mul3A_38 : i32
    %add3A_40 = arith.addi %mul3A_37, %mul3A_39 : i32
    "tpu.region"() ({
      %run_scoped3A = tpu.sem_alloc : memref<!tpu.dma_semaphore, #tpu.memory_space<semaphore_mem>>
      %dma_start3A = arith.constant 0 : i32
      %dma_start3A_41 = tpu.memref_slice %arg5[%add3A_40, %dma_start3A] : memref<20480x128xf32, #tpu.memory_space<hbm>> -> memref<640x128xf32, #tpu.memory_space<hbm>>
      %dma_start3A_42 = arith.constant 0 : i32
      %dma_start3A_43 = tpu.memref_slice %arg9[%mul3A_35, %dma_start3A_42] : memref<10240x128xf32, #tpu.memory_space<vmem_shared>> -> memref<640x128xf32, #tpu.memory_space<vmem_shared>>
      tpu.enqueue_dma source(%dma_start3A_43 : memref<640x128xf32, #tpu.memory_space<vmem_shared>>) target(%dma_start3A_41 : memref<640x128xf32, #tpu.memory_space<hbm>>) target_semaphore(%run_scoped3A : memref<!tpu.dma_semaphore, #tpu.memory_space<semaphore_mem>>)
      %dma_wait3A = arith.constant 0 : i32
      %dma_wait3A_44 = tpu.memref_slice %arg5[%add3A_40, %dma_wait3A] : memref<20480x128xf32, #tpu.memory_space<hbm>> -> memref<640x128xf32, #tpu.memory_space<hbm>>
      %dma_wait3A_45 = arith.constant 0 : i32
      %dma_wait3A_46 = tpu.memref_slice %arg9[%mul3A_35, %dma_wait3A_45] : memref<10240x128xf32, #tpu.memory_space<vmem_shared>> -> memref<640x128xf32, #tpu.memory_space<vmem_shared>>
      tpu.wait_dma2 semaphore(%run_scoped3A : memref<!tpu.dma_semaphore, #tpu.memory_space<semaphore_mem>>) src(%dma_wait3A_46 : memref<640x128xf32, #tpu.memory_space<vmem_shared>>) dst(%dma_wait3A_44 : memref<640x128xf32, #tpu.memory_space<hbm>>)
      tpu.yield
    }) : () -> ()
    return
  }
}

#map = affine_map<(d0, d1) -> (0, 0)>
#map1 = affine_map<(d0, d1) -> (0, 0, 0)>
module attributes {stable_mosaic.version = 14 : i64} {
  func.func @_agg_body(%arg0: i32, %arg1: i32, %arg2: memref<10000x128xf32, #tpu.memory_space<hbm>>, %arg3: memref<32x79x128xi32, #tpu.memory_space<hbm>>, %arg4: memref<32x79x128xi32, #tpu.memory_space<hbm>>, %arg5: memref<20480x128xf32, #tpu.memory_space<hbm>>, %arg6: memref<79x128xi32, #tpu.memory_space<vmem>>, %arg7: memref<79x128xi32, #tpu.memory_space<vmem>>, %arg8: memref<128x128xf32, #tpu.memory_space<vmem>>, %arg9: memref<10240x128xf32, #tpu.memory_space<vmem_shared>>) attributes {dimension_semantics = [#tpu.dimension_semantics<core_parallel>, #tpu.dimension_semantics<subcore_parallel>], iteration_bounds = array<i64: 2, 16>, scalar_prefetch = 0 : i64, scratch_operands = 4 : i64, tpu.core_type = #tpu.core_type<sc_vector_subcore>, window_params = [{transform_indices = #map}, {transform_indices = #map1}, {transform_indices = #map1}, {transform_indices = #map}]} {
    %mul3A = arith.constant 2 : i32
    %mul3A_0 = arith.muli %arg1, %mul3A : i32
    %add3A = arith.addi %mul3A_0, %arg0 : i32
    %broadcast_in_dim3A = arith.constant 0.000000e+00 : f32
    %broadcast_in_dim3A_1 = vector.broadcast %broadcast_in_dim3A : f32 to vector<16xf32>
    %scan3A = arith.constant 0 : i32
    %scan3A_2 = arith.constant 0 : i32
    %scan3A_3 = arith.constant 128 : i32
    %scan3A_4 = arith.addi %scan3A_2, %scan3A_3 : i32
    %scan3A_5 = arith.constant 1 : i32
    scf.for %scan3A_41 = %scan3A_2 to %scan3A_4 step %scan3A_5  : i32 {
      %swap3A = arith.index_cast %scan3A_41 : i32 to index
      %swap3A_42 = arith.constant 0 : index
      %swap3A_43 = tpu.vector_load %arg8[%swap3A, %swap3A_42] {strides = array<i32>} : memref<128x128xf32, #tpu.memory_space<vmem>>, vector<1x16xf32>,
      %swap3A_44 = vector.shape_cast %swap3A_43 : vector<1x16xf32> to vector<16xf32>
      %swap3A_45 = vector.shape_cast %broadcast_in_dim3A_1 : vector<16xf32> to vector<1x16xf32>
      tpu.vector_store %arg8[%swap3A, %swap3A_42], %swap3A_45 {strides = array<i32>} : memref<128x128xf32, #tpu.memory_space<vmem>>, vector<1x16xf32>,
      %swap3A_46 = arith.index_cast %scan3A_41 : i32 to index
      %swap3A_47 = arith.constant 16 : index
      %swap3A_48 = tpu.vector_load %arg8[%swap3A_46, %swap3A_47] {strides = array<i32>} : memref<128x128xf32, #tpu.memory_space<vmem>>, vector<1x16xf32>,
      %swap3A_49 = vector.shape_cast %swap3A_48 : vector<1x16xf32> to vector<16xf32>
      %swap3A_50 = vector.shape_cast %broadcast_in_dim3A_1 : vector<16xf32> to vector<1x16xf32>
      tpu.vector_store %arg8[%swap3A_46, %swap3A_47], %swap3A_50 {strides = array<i32>} : memref<128x128xf32, #tpu.memory_space<vmem>>, vector<1x16xf32>,
      %swap3A_51 = arith.index_cast %scan3A_41 : i32 to index
      %swap3A_52 = arith.constant 32 : index
      %swap3A_53 = tpu.vector_load %arg8[%swap3A_51, %swap3A_52] {strides = array<i32>} : memref<128x128xf32, #tpu.memory_space<vmem>>, vector<1x16xf32>,
      %swap3A_54 = vector.shape_cast %swap3A_53 : vector<1x16xf32> to vector<16xf32>
      %swap3A_55 = vector.shape_cast %broadcast_in_dim3A_1 : vector<16xf32> to vector<1x16xf32>
      tpu.vector_store %arg8[%swap3A_51, %swap3A_52], %swap3A_55 {strides = array<i32>} : memref<128x128xf32, #tpu.memory_space<vmem>>, vector<1x16xf32>,
      %swap3A_56 = arith.index_cast %scan3A_41 : i32 to index
      %swap3A_57 = arith.constant 48 : index
      %swap3A_58 = tpu.vector_load %arg8[%swap3A_56, %swap3A_57] {strides = array<i32>} : memref<128x128xf32, #tpu.memory_space<vmem>>, vector<1x16xf32>,
      %swap3A_59 = vector.shape_cast %swap3A_58 : vector<1x16xf32> to vector<16xf32>
      %swap3A_60 = vector.shape_cast %broadcast_in_dim3A_1 : vector<16xf32> to vector<1x16xf32>
      tpu.vector_store %arg8[%swap3A_56, %swap3A_57], %swap3A_60 {strides = array<i32>} : memref<128x128xf32, #tpu.memory_space<vmem>>, vector<1x16xf32>,
      %swap3A_61 = arith.index_cast %scan3A_41 : i32 to index
      %swap3A_62 = arith.constant 64 : index
      %swap3A_63 = tpu.vector_load %arg8[%swap3A_61, %swap3A_62] {strides = array<i32>} : memref<128x128xf32, #tpu.memory_space<vmem>>, vector<1x16xf32>,
      %swap3A_64 = vector.shape_cast %swap3A_63 : vector<1x16xf32> to vector<16xf32>
      %swap3A_65 = vector.shape_cast %broadcast_in_dim3A_1 : vector<16xf32> to vector<1x16xf32>
      tpu.vector_store %arg8[%swap3A_61, %swap3A_62], %swap3A_65 {strides = array<i32>} : memref<128x128xf32, #tpu.memory_space<vmem>>, vector<1x16xf32>,
      %swap3A_66 = arith.index_cast %scan3A_41 : i32 to index
      %swap3A_67 = arith.constant 80 : index
      %swap3A_68 = tpu.vector_load %arg8[%swap3A_66, %swap3A_67] {strides = array<i32>} : memref<128x128xf32, #tpu.memory_space<vmem>>, vector<1x16xf32>,
      %swap3A_69 = vector.shape_cast %swap3A_68 : vector<1x16xf32> to vector<16xf32>
      %swap3A_70 = vector.shape_cast %broadcast_in_dim3A_1 : vector<16xf32> to vector<1x16xf32>
      tpu.vector_store %arg8[%swap3A_66, %swap3A_67], %swap3A_70 {strides = array<i32>} : memref<128x128xf32, #tpu.memory_space<vmem>>, vector<1x16xf32>,
      %swap3A_71 = arith.index_cast %scan3A_41 : i32 to index
      %swap3A_72 = arith.constant 96 : index
      %swap3A_73 = tpu.vector_load %arg8[%swap3A_71, %swap3A_72] {strides = array<i32>} : memref<128x128xf32, #tpu.memory_space<vmem>>, vector<1x16xf32>,
      %swap3A_74 = vector.shape_cast %swap3A_73 : vector<1x16xf32> to vector<16xf32>
      %swap3A_75 = vector.shape_cast %broadcast_in_dim3A_1 : vector<16xf32> to vector<1x16xf32>
      tpu.vector_store %arg8[%swap3A_71, %swap3A_72], %swap3A_75 {strides = array<i32>} : memref<128x128xf32, #tpu.memory_space<vmem>>, vector<1x16xf32>,
      %swap3A_76 = arith.index_cast %scan3A_41 : i32 to index
      %swap3A_77 = arith.constant 112 : index
      %swap3A_78 = tpu.vector_load %arg8[%swap3A_76, %swap3A_77] {strides = array<i32>} : memref<128x128xf32, #tpu.memory_space<vmem>>, vector<1x16xf32>,
      %swap3A_79 = vector.shape_cast %swap3A_78 : vector<1x16xf32> to vector<16xf32>
      %swap3A_80 = vector.shape_cast %broadcast_in_dim3A_1 : vector<16xf32> to vector<1x16xf32>
      tpu.vector_store %arg8[%swap3A_76, %swap3A_77], %swap3A_80 {strides = array<i32>} : memref<128x128xf32, #tpu.memory_space<vmem>>, vector<1x16xf32>,
    }
    %scan3A_6 = arith.constant 128 : i32
    %mul3A_7 = arith.constant 640 : i32
    %mul3A_8 = arith.muli %arg1, %mul3A_7 : i32
    %add3A_9 = arith.constant 0 : i32
    %add3A_10 = arith.addi %mul3A_8, %add3A_9 : i32
    "tpu.region"() ({
      %run_scoped3A = tpu.sem_alloc : memref<!tpu.dma_semaphore, #tpu.memory_space<semaphore_mem>>
      %dma_start3A = arith.constant 0 : i32
      %dma_start3A_41 = tpu.memref_slice %arg9[%add3A_10, %dma_start3A] : memref<10240x128xf32, #tpu.memory_space<vmem_shared>> -> memref<128x128xf32, #tpu.memory_space<vmem_shared>>
      %dma_start3A_42 = arith.constant 0 : i32
      %dma_start3A_43 = tpu.memref_slice %arg9[%add3A_10, %dma_start3A_42] : memref<10240x128xf32, #tpu.memory_space<vmem_shared>> -> memref<128x128xf32, #tpu.memory_space<vmem_shared>>
      tpu.enqueue_dma source(%arg8 : memref<128x128xf32, #tpu.memory_space<vmem>>) target(%dma_start3A_43 : memref<128x128xf32, #tpu.memory_space<vmem_shared>>) target_semaphore(%run_scoped3A : memref<!tpu.dma_semaphore, #tpu.memory_space<semaphore_mem>>)
      %dma_wait3A = arith.constant 0 : i32
      %dma_wait3A_44 = tpu.memref_slice %arg9[%add3A_10, %dma_wait3A] : memref<10240x128xf32, #tpu.memory_space<vmem_shared>> -> memref<128x128xf32, #tpu.memory_space<vmem_shared>>
      %dma_wait3A_45 = arith.constant 0 : i32
      %dma_wait3A_46 = tpu.memref_slice %arg9[%add3A_10, %dma_wait3A_45] : memref<10240x128xf32, #tpu.memory_space<vmem_shared>> -> memref<128x128xf32, #tpu.memory_space<vmem_shared>>
      tpu.wait_dma2 semaphore(%run_scoped3A : memref<!tpu.dma_semaphore, #tpu.memory_space<semaphore_mem>>) src(%arg8 : memref<128x128xf32, #tpu.memory_space<vmem>>) dst(%dma_wait3A_46 : memref<128x128xf32, #tpu.memory_space<vmem_shared>>)
      tpu.yield
    }) : () -> ()
    %mul3A_11 = arith.constant 640 : i32
    %mul3A_12 = arith.muli %arg1, %mul3A_11 : i32
    %add3A_13 = arith.constant 128 : i32
    %add3A_14 = arith.addi %mul3A_12, %add3A_13 : i32
    "tpu.region"() ({
      %run_scoped3A = tpu.sem_alloc : memref<!tpu.dma_semaphore, #tpu.memory_space<semaphore_mem>>
      %dma_start3A = arith.constant 0 : i32
      %dma_start3A_41 = tpu.memref_slice %arg9[%add3A_14, %dma_start3A] : memref<10240x128xf32, #tpu.memory_space<vmem_shared>> -> memref<128x128xf32, #tpu.memory_space<vmem_shared>>
      %dma_start3A_42 = arith.constant 0 : i32
      %dma_start3A_43 = tpu.memref_slice %arg9[%add3A_14, %dma_start3A_42] : memref<10240x128xf32, #tpu.memory_space<vmem_shared>> -> memref<128x128xf32, #tpu.memory_space<vmem_shared>>
      tpu.enqueue_dma source(%arg8 : memref<128x128xf32, #tpu.memory_space<vmem>>) target(%dma_start3A_43 : memref<128x128xf32, #tpu.memory_space<vmem_shared>>) target_semaphore(%run_scoped3A : memref<!tpu.dma_semaphore, #tpu.memory_space<semaphore_mem>>)
      %dma_wait3A = arith.constant 0 : i32
      %dma_wait3A_44 = tpu.memref_slice %arg9[%add3A_14, %dma_wait3A] : memref<10240x128xf32, #tpu.memory_space<vmem_shared>> -> memref<128x128xf32, #tpu.memory_space<vmem_shared>>
      %dma_wait3A_45 = arith.constant 0 : i32
      %dma_wait3A_46 = tpu.memref_slice %arg9[%add3A_14, %dma_wait3A_45] : memref<10240x128xf32, #tpu.memory_space<vmem_shared>> -> memref<128x128xf32, #tpu.memory_space<vmem_shared>>
      tpu.wait_dma2 semaphore(%run_scoped3A : memref<!tpu.dma_semaphore, #tpu.memory_space<semaphore_mem>>) src(%arg8 : memref<128x128xf32, #tpu.memory_space<vmem>>) dst(%dma_wait3A_46 : memref<128x128xf32, #tpu.memory_space<vmem_shared>>)
      tpu.yield
    }) : () -> ()
    %mul3A_15 = arith.constant 640 : i32
    %mul3A_16 = arith.muli %arg1, %mul3A_15 : i32
    %add3A_17 = arith.constant 256 : i32
    %add3A_18 = arith.addi %mul3A_16, %add3A_17 : i32
    "tpu.region"() ({
      %run_scoped3A = tpu.sem_alloc : memref<!tpu.dma_semaphore, #tpu.memory_space<semaphore_mem>>
      %dma_start3A = arith.constant 0 : i32
      %dma_start3A_41 = tpu.memref_slice %arg9[%add3A_18, %dma_start3A] : memref<10240x128xf32, #tpu.memory_space<vmem_shared>> -> memref<128x128xf32, #tpu.memory_space<vmem_shared>>
      %dma_start3A_42 = arith.constant 0 : i32
      %dma_start3A_43 = tpu.memref_slice %arg9[%add3A_18, %dma_start3A_42] : memref<10240x128xf32, #tpu.memory_space<vmem_shared>> -> memref<128x128xf32, #tpu.memory_space<vmem_shared>>
      tpu.enqueue_dma source(%arg8 : memref<128x128xf32, #tpu.memory_space<vmem>>) target(%dma_start3A_43 : memref<128x128xf32, #tpu.memory_space<vmem_shared>>) target_semaphore(%run_scoped3A : memref<!tpu.dma_semaphore, #tpu.memory_space<semaphore_mem>>)
      %dma_wait3A = arith.constant 0 : i32
      %dma_wait3A_44 = tpu.memref_slice %arg9[%add3A_18, %dma_wait3A] : memref<10240x128xf32, #tpu.memory_space<vmem_shared>> -> memref<128x128xf32, #tpu.memory_space<vmem_shared>>
      %dma_wait3A_45 = arith.constant 0 : i32
      %dma_wait3A_46 = tpu.memref_slice %arg9[%add3A_18, %dma_wait3A_45] : memref<10240x128xf32, #tpu.memory_space<vmem_shared>> -> memref<128x128xf32, #tpu.memory_space<vmem_shared>>
      tpu.wait_dma2 semaphore(%run_scoped3A : memref<!tpu.dma_semaphore, #tpu.memory_space<semaphore_mem>>) src(%arg8 : memref<128x128xf32, #tpu.memory_space<vmem>>) dst(%dma_wait3A_46 : memref<128x128xf32, #tpu.memory_space<vmem_shared>>)
      tpu.yield
    }) : () -> ()
    %mul3A_19 = arith.constant 640 : i32
    %mul3A_20 = arith.muli %arg1, %mul3A_19 : i32
    %add3A_21 = arith.constant 384 : i32
    %add3A_22 = arith.addi %mul3A_20, %add3A_21 : i32
    "tpu.region"() ({
      %run_scoped3A = tpu.sem_alloc : memref<!tpu.dma_semaphore, #tpu.memory_space<semaphore_mem>>
      %dma_start3A = arith.constant 0 : i32
      %dma_start3A_41 = tpu.memref_slice %arg9[%add3A_22, %dma_start3A] : memref<10240x128xf32, #tpu.memory_space<vmem_shared>> -> memref<128x128xf32, #tpu.memory_space<vmem_shared>>
      %dma_start3A_42 = arith.constant 0 : i32
      %dma_start3A_43 = tpu.memref_slice %arg9[%add3A_22, %dma_start3A_42] : memref<10240x128xf32, #tpu.memory_space<vmem_shared>> -> memref<128x128xf32, #tpu.memory_space<vmem_shared>>
      tpu.enqueue_dma source(%arg8 : memref<128x128xf32, #tpu.memory_space<vmem>>) target(%dma_start3A_43 : memref<128x128xf32, #tpu.memory_space<vmem_shared>>) target_semaphore(%run_scoped3A : memref<!tpu.dma_semaphore, #tpu.memory_space<semaphore_mem>>)
      %dma_wait3A = arith.constant 0 : i32
      %dma_wait3A_44 = tpu.memref_slice %arg9[%add3A_22, %dma_wait3A] : memref<10240x128xf32, #tpu.memory_space<vmem_shared>> -> memref<128x128xf32, #tpu.memory_space<vmem_shared>>
      %dma_wait3A_45 = arith.constant 0 : i32
      %dma_wait3A_46 = tpu.memref_slice %arg9[%add3A_22, %dma_wait3A_45] : memref<10240x128xf32, #tpu.memory_space<vmem_shared>> -> memref<128x128xf32, #tpu.memory_space<vmem_shared>>
      tpu.wait_dma2 semaphore(%run_scoped3A : memref<!tpu.dma_semaphore, #tpu.memory_space<semaphore_mem>>) src(%arg8 : memref<128x128xf32, #tpu.memory_space<vmem>>) dst(%dma_wait3A_46 : memref<128x128xf32, #tpu.memory_space<vmem_shared>>)
      tpu.yield
    }) : () -> ()
    %mul3A_23 = arith.constant 640 : i32
    %mul3A_24 = arith.muli %arg1, %mul3A_23 : i32
    %add3A_25 = arith.constant 512 : i32
    %add3A_26 = arith.addi %mul3A_24, %add3A_25 : i32
    "tpu.region"() ({
      %run_scoped3A = tpu.sem_alloc : memref<!tpu.dma_semaphore, #tpu.memory_space<semaphore_mem>>
      %dma_start3A = arith.constant 0 : i32
      %dma_start3A_41 = tpu.memref_slice %arg9[%add3A_26, %dma_start3A] : memref<10240x128xf32, #tpu.memory_space<vmem_shared>> -> memref<128x128xf32, #tpu.memory_space<vmem_shared>>
      %dma_start3A_42 = arith.constant 0 : i32
      %dma_start3A_43 = tpu.memref_slice %arg9[%add3A_26, %dma_start3A_42] : memref<10240x128xf32, #tpu.memory_space<vmem_shared>> -> memref<128x128xf32, #tpu.memory_space<vmem_shared>>
      tpu.enqueue_dma source(%arg8 : memref<128x128xf32, #tpu.memory_space<vmem>>) target(%dma_start3A_43 : memref<128x128xf32, #tpu.memory_space<vmem_shared>>) target_semaphore(%run_scoped3A : memref<!tpu.dma_semaphore, #tpu.memory_space<semaphore_mem>>)
      %dma_wait3A = arith.constant 0 : i32
      %dma_wait3A_44 = tpu.memref_slice %arg9[%add3A_26, %dma_wait3A] : memref<10240x128xf32, #tpu.memory_space<vmem_shared>> -> memref<128x128xf32, #tpu.memory_space<vmem_shared>>
      %dma_wait3A_45 = arith.constant 0 : i32
      %dma_wait3A_46 = tpu.memref_slice %arg9[%add3A_26, %dma_wait3A_45] : memref<10240x128xf32, #tpu.memory_space<vmem_shared>> -> memref<128x128xf32, #tpu.memory_space<vmem_shared>>
      tpu.wait_dma2 semaphore(%run_scoped3A : memref<!tpu.dma_semaphore, #tpu.memory_space<semaphore_mem>>) src(%arg8 : memref<128x128xf32, #tpu.memory_space<vmem>>) dst(%dma_wait3A_46 : memref<128x128xf32, #tpu.memory_space<vmem_shared>>)
      tpu.yield
    }) : () -> ()
    %barrier3A = arith.constant 0 : index
    tpu.barrier barrier_id(%barrier3A)
    "tpu.region"() ({
      %run_scoped3A = tpu.sem_alloc : memref<!tpu.dma_semaphore, #tpu.memory_space<semaphore_mem>>
      %dma_start3A = arith.constant 0 : i32
      %dma_start3A_41 = arith.constant 0 : i32
      %dma_start3A_42 = tpu.memref_slice %arg3[%add3A, %dma_start3A, %dma_start3A_41] : memref<32x79x128xi32, #tpu.memory_space<hbm>> -> memref<1x79x128xi32, #tpu.memory_space<hbm>>
      %dma_start3A_43 = tpu.memref_squeeze %dma_start3A_42 : memref<1x79x128xi32, #tpu.memory_space<hbm>> -> memref<79x128xi32, #tpu.memory_space<hbm>>
      %dma_start3A_44 = arith.constant 0 : i32
      %dma_start3A_45 = arith.constant 0 : i32
      %dma_start3A_46 = tpu.memref_slice %arg3[%add3A, %dma_start3A_44, %dma_start3A_45] : memref<32x79x128xi32, #tpu.memory_space<hbm>> -> memref<1x79x128xi32, #tpu.memory_space<hbm>>
      %dma_start3A_47 = tpu.memref_squeeze %dma_start3A_46 : memref<1x79x128xi32, #tpu.memory_space<hbm>> -> memref<79x128xi32, #tpu.memory_space<hbm>>
      tpu.enqueue_dma source(%dma_start3A_47 : memref<79x128xi32, #tpu.memory_space<hbm>>) target(%arg6 : memref<79x128xi32, #tpu.memory_space<vmem>>) target_semaphore(%run_scoped3A : memref<!tpu.dma_semaphore, #tpu.memory_space<semaphore_mem>>)
      %dma_wait3A = arith.constant 0 : i32
      %dma_wait3A_48 = arith.constant 0 : i32
      %dma_wait3A_49 = tpu.memref_slice %arg3[%add3A, %dma_wait3A, %dma_wait3A_48] : memref<32x79x128xi32, #tpu.memory_space<hbm>> -> memref<1x79x128xi32, #tpu.memory_space<hbm>>
      %dma_wait3A_50 = tpu.memref_squeeze %dma_wait3A_49 : memref<1x79x128xi32, #tpu.memory_space<hbm>> -> memref<79x128xi32, #tpu.memory_space<hbm>>
      %dma_wait3A_51 = arith.constant 0 : i32
      %dma_wait3A_52 = arith.constant 0 : i32
      %dma_wait3A_53 = tpu.memref_slice %arg3[%add3A, %dma_wait3A_51, %dma_wait3A_52] : memref<32x79x128xi32, #tpu.memory_space<hbm>> -> memref<1x79x128xi32, #tpu.memory_space<hbm>>
      %dma_wait3A_54 = tpu.memref_squeeze %dma_wait3A_53 : memref<1x79x128xi32, #tpu.memory_space<hbm>> -> memref<79x128xi32, #tpu.memory_space<hbm>>
      tpu.wait_dma2 semaphore(%run_scoped3A : memref<!tpu.dma_semaphore, #tpu.memory_space<semaphore_mem>>) src(%dma_wait3A_54 : memref<79x128xi32, #tpu.memory_space<hbm>>) dst(%arg6 : memref<79x128xi32, #tpu.memory_space<vmem>>)
      tpu.yield
    }) : () -> ()
    "tpu.region"() ({
      %run_scoped3A = tpu.sem_alloc : memref<!tpu.dma_semaphore, #tpu.memory_space<semaphore_mem>>
      %dma_start3A = arith.constant 0 : i32
      %dma_start3A_41 = arith.constant 0 : i32
      %dma_start3A_42 = tpu.memref_slice %arg4[%add3A, %dma_start3A, %dma_start3A_41] : memref<32x79x128xi32, #tpu.memory_space<hbm>> -> memref<1x79x128xi32, #tpu.memory_space<hbm>>
      %dma_start3A_43 = tpu.memref_squeeze %dma_start3A_42 : memref<1x79x128xi32, #tpu.memory_space<hbm>> -> memref<79x128xi32, #tpu.memory_space<hbm>>
      %dma_start3A_44 = arith.constant 0 : i32
      %dma_start3A_45 = arith.constant 0 : i32
      %dma_start3A_46 = tpu.memref_slice %arg4[%add3A, %dma_start3A_44, %dma_start3A_45] : memref<32x79x128xi32, #tpu.memory_space<hbm>> -> memref<1x79x128xi32, #tpu.memory_space<hbm>>
      %dma_start3A_47 = tpu.memref_squeeze %dma_start3A_46 : memref<1x79x128xi32, #tpu.memory_space<hbm>> -> memref<79x128xi32, #tpu.memory_space<hbm>>
      tpu.enqueue_dma source(%dma_start3A_47 : memref<79x128xi32, #tpu.memory_space<hbm>>) target(%arg7 : memref<79x128xi32, #tpu.memory_space<vmem>>) target_semaphore(%run_scoped3A : memref<!tpu.dma_semaphore, #tpu.memory_space<semaphore_mem>>)
      %dma_wait3A = arith.constant 0 : i32
      %dma_wait3A_48 = arith.constant 0 : i32
      %dma_wait3A_49 = tpu.memref_slice %arg4[%add3A, %dma_wait3A, %dma_wait3A_48] : memref<32x79x128xi32, #tpu.memory_space<hbm>> -> memref<1x79x128xi32, #tpu.memory_space<hbm>>
      %dma_wait3A_50 = tpu.memref_squeeze %dma_wait3A_49 : memref<1x79x128xi32, #tpu.memory_space<hbm>> -> memref<79x128xi32, #tpu.memory_space<hbm>>
      %dma_wait3A_51 = arith.constant 0 : i32
      %dma_wait3A_52 = arith.constant 0 : i32
      %dma_wait3A_53 = tpu.memref_slice %arg4[%add3A, %dma_wait3A_51, %dma_wait3A_52] : memref<32x79x128xi32, #tpu.memory_space<hbm>> -> memref<1x79x128xi32, #tpu.memory_space<hbm>>
      %dma_wait3A_54 = tpu.memref_squeeze %dma_wait3A_53 : memref<1x79x128xi32, #tpu.memory_space<hbm>> -> memref<79x128xi32, #tpu.memory_space<hbm>>
      tpu.wait_dma2 semaphore(%run_scoped3A : memref<!tpu.dma_semaphore, #tpu.memory_space<semaphore_mem>>) src(%dma_wait3A_54 : memref<79x128xi32, #tpu.memory_space<hbm>>) dst(%arg7 : memref<79x128xi32, #tpu.memory_space<vmem>>)
      tpu.yield
    }) : () -> ()
    %scan3A_27 = arith.constant 0 : i32
    %scan3A_28 = arith.constant 0 : i32
    %scan3A_29 = arith.constant 79 : i32
    %scan3A_30 = arith.addi %scan3A_28, %scan3A_29 : i32
    %scan3A_31 = arith.constant 1 : i32
    scf.for %scan3A_41 = %scan3A_28 to %scan3A_30 step %scan3A_31  : i32 {
      "tpu.region"() ({
        %run_scoped3A = tpu.sem_alloc : memref<!tpu.dma_semaphore, #tpu.memory_space<semaphore_mem>>
        %dma_start3A = arith.constant 0 : i32
        %dma_start3A_42 = tpu.memref_slice %arg6[%scan3A_41, %dma_start3A] : memref<79x128xi32, #tpu.memory_space<vmem>> -> memref<1x128xi32, #tpu.memory_space<vmem>>
        %dma_start3A_43 = tpu.memref_squeeze %dma_start3A_42 : memref<1x128xi32, #tpu.memory_space<vmem>> -> memref<128xi32, #tpu.memory_space<vmem>>
        %dma_start3A_44 = arith.constant 0 : i32
        %dma_start3A_45 = arith.constant 0 : i32
        %dma_start3A_46 = tpu.memref_slice %arg2[%dma_start3A_44, %dma_start3A_45] : memref<10000x128xf32, #tpu.memory_space<hbm>> -> memref<10000x128xf32, #tpu.memory_space<hbm>>
        tpu.enqueue_indirect_dma source(%dma_start3A_46 : memref<10000x128xf32, #tpu.memory_space<hbm>>) target(%arg8 : memref<128x128xf32, #tpu.memory_space<vmem>>) offsets(%dma_start3A_43 : memref<128xi32, #tpu.memory_space<vmem>>) semaphore(%run_scoped3A : memref<!tpu.dma_semaphore, #tpu.memory_space<semaphore_mem>>)
        %dma_wait3A = arith.constant 0 : i32
        %dma_wait3A_47 = tpu.memref_slice %arg6[%scan3A_41, %dma_wait3A] : memref<79x128xi32, #tpu.memory_space<vmem>> -> memref<1x128xi32, #tpu.memory_space<vmem>>
        %dma_wait3A_48 = tpu.memref_squeeze %dma_wait3A_47 : memref<1x128xi32, #tpu.memory_space<vmem>> -> memref<128xi32, #tpu.memory_space<vmem>>
        %dma_wait3A_49 = arith.constant 0 : i32
        %dma_wait3A_50 = arith.constant 0 : i32
        %dma_wait3A_51 = tpu.memref_slice %arg2[%dma_wait3A_49, %dma_wait3A_50] : memref<10000x128xf32, #tpu.memory_space<hbm>> -> memref<10000x128xf32, #tpu.memory_space<hbm>>
        tpu.wait_indirect_dma semaphore(%run_scoped3A : memref<!tpu.dma_semaphore, #tpu.memory_space<semaphore_mem>>) src(%dma_wait3A_51 : memref<10000x128xf32, #tpu.memory_space<hbm>>) dst(%arg8 : memref<128x128xf32, #tpu.memory_space<vmem>>)
        tpu.yield
      }) : () -> ()
      "tpu.region"() ({
        %run_scoped3A = tpu.sem_alloc : memref<!tpu.dma_semaphore, #tpu.memory_space<semaphore_mem>>
        %dma_start3A = arith.constant 0 : i32
        %dma_start3A_42 = tpu.memref_slice %arg7[%scan3A_41, %dma_start3A] : memref<79x128xi32, #tpu.memory_space<vmem>> -> memref<1x128xi32, #tpu.memory_space<vmem>>
        %dma_start3A_43 = tpu.memref_squeeze %dma_start3A_42 : memref<1x128xi32, #tpu.memory_space<vmem>> -> memref<128xi32, #tpu.memory_space<vmem>>
        %dma_start3A_44 = arith.constant 0 : i32
        %dma_start3A_45 = arith.constant 0 : i32
        %dma_start3A_46 = tpu.memref_slice %arg9[%dma_start3A_44, %dma_start3A_45] : memref<10240x128xf32, #tpu.memory_space<vmem_shared>> -> memref<10240x128xf32, #tpu.memory_space<vmem_shared>>
        tpu.enqueue_indirect_dma source(%arg8 : memref<128x128xf32, #tpu.memory_space<vmem>>) target(%dma_start3A_46 : memref<10240x128xf32, #tpu.memory_space<vmem_shared>>) offsets(%dma_start3A_43 : memref<128xi32, #tpu.memory_space<vmem>>) semaphore(%run_scoped3A : memref<!tpu.dma_semaphore, #tpu.memory_space<semaphore_mem>>) {add = true}
        %dma_wait3A = arith.constant 0 : i32
        %dma_wait3A_47 = tpu.memref_slice %arg7[%scan3A_41, %dma_wait3A] : memref<79x128xi32, #tpu.memory_space<vmem>> -> memref<1x128xi32, #tpu.memory_space<vmem>>
        %dma_wait3A_48 = tpu.memref_squeeze %dma_wait3A_47 : memref<1x128xi32, #tpu.memory_space<vmem>> -> memref<128xi32, #tpu.memory_space<vmem>>
        %dma_wait3A_49 = arith.constant 0 : i32
        %dma_wait3A_50 = arith.constant 0 : i32
        %dma_wait3A_51 = tpu.memref_slice %arg9[%dma_wait3A_49, %dma_wait3A_50] : memref<10240x128xf32, #tpu.memory_space<vmem_shared>> -> memref<10240x128xf32, #tpu.memory_space<vmem_shared>>
        tpu.wait_indirect_dma semaphore(%run_scoped3A : memref<!tpu.dma_semaphore, #tpu.memory_space<semaphore_mem>>) src(%arg8 : memref<128x128xf32, #tpu.memory_space<vmem>>) dst(%dma_wait3A_51 : memref<10240x128xf32, #tpu.memory_space<vmem_shared>>)
        tpu.yield
      }) : () -> ()
    }
    %scan3A_32 = arith.constant 79 : i32
    %barrier3A_33 = arith.constant 0 : index
    tpu.barrier barrier_id(%barrier3A_33)
    %mul3A_34 = arith.constant 640 : i32
    %mul3A_35 = arith.muli %arg1, %mul3A_34 : i32
    %mul3A_36 = arith.constant 10240 : i32
    %mul3A_37 = arith.muli %arg0, %mul3A_36 : i32
    %mul3A_38 = arith.constant 640 : i32
    %mul3A_39 = arith.muli %arg1, %mul3A_38 : i32
    %add3A_40 = arith.addi %mul3A_37, %mul3A_39 : i32
    "tpu.region"() ({
      %run_scoped3A = tpu.sem_alloc : memref<!tpu.dma_semaphore, #tpu.memory_space<semaphore_mem>>
      %dma_start3A = arith.constant 0 : i32
      %dma_start3A_41 = tpu.memref_slice %arg5[%add3A_40, %dma_start3A] : memref<20480x128xf32, #tpu.memory_space<hbm>> -> memref<640x128xf32, #tpu.memory_space<hbm>>
      %dma_start3A_42 = arith.constant 0 : i32
      %dma_start3A_43 = tpu.memref_slice %arg9[%mul3A_35, %dma_start3A_42] : memref<10240x128xf32, #tpu.memory_space<vmem_shared>> -> memref<640x128xf32, #tpu.memory_space<vmem_shared>>
      tpu.enqueue_dma source(%dma_start3A_43 : memref<640x128xf32, #tpu.memory_space<vmem_shared>>) target(%dma_start3A_41 : memref<640x128xf32, #tpu.memory_space<hbm>>) target_semaphore(%run_scoped3A : memref<!tpu.dma_semaphore, #tpu.memory_space<semaphore_mem>>)
      %dma_wait3A = arith.constant 0 : i32
      %dma_wait3A_44 = tpu.memref_slice %arg5[%add3A_40, %dma_wait3A] : memref<20480x128xf32, #tpu.memory_space<hbm>> -> memref<640x128xf32, #tpu.memory_space<hbm>>
      %dma_wait3A_45 = arith.constant 0 : i32
      %dma_wait3A_46 = tpu.memref_slice %arg9[%mul3A_35, %dma_wait3A_45] : memref<10240x128xf32, #tpu.memory_space<vmem_shared>> -> memref<640x128xf32, #tpu.memory_space<vmem_shared>>
      tpu.wait_dma2 semaphore(%run_scoped3A : memref<!tpu.dma_semaphore, #tpu.memory_space<semaphore_mem>>) src(%dma_wait3A_46 : memref<640x128xf32, #tpu.memory_space<vmem_shared>>) dst(%dma_wait3A_44 : memref<640x128xf32, #tpu.memory_space<hbm>>)
      tpu.yield
    }) : () -> ()
    return
  }
}

#map = affine_map<(d0, d1) -> (0, 0)>
#map1 = affine_map<(d0, d1) -> (0, 0, 0)>
module attributes {stable_mosaic.version = 14 : i64} {
  func.func @_agg_body(%arg0: i32, %arg1: i32, %arg2: memref<10000x128xf32, #tpu.memory_space<hbm>>, %arg3: memref<32x79x128xi32, #tpu.memory_space<hbm>>, %arg4: memref<32x79x128xi32, #tpu.memory_space<hbm>>, %arg5: memref<20480x128xf32, #tpu.memory_space<hbm>>, %arg6: memref<79x128xi32, #tpu.memory_space<vmem>>, %arg7: memref<79x128xi32, #tpu.memory_space<vmem>>, %arg8: memref<128x128xf32, #tpu.memory_space<vmem>>, %arg9: memref<10240x128xf32, #tpu.memory_space<vmem_shared>>) attributes {dimension_semantics = [#tpu.dimension_semantics<core_parallel>, #tpu.dimension_semantics<subcore_parallel>], iteration_bounds = array<i64: 2, 16>, scalar_prefetch = 0 : i64, scratch_operands = 4 : i64, tpu.core_type = #tpu.core_type<sc_vector_subcore>, window_params = [{transform_indices = #map}, {transform_indices = #map1}, {transform_indices = #map1}, {transform_indices = #map}]} {
    %mul3A = arith.constant 2 : i32
    %mul3A_0 = arith.muli %arg1, %mul3A : i32
    %add3A = arith.addi %mul3A_0, %arg0 : i32
    %broadcast_in_dim3A = arith.constant 0.000000e+00 : f32
    %broadcast_in_dim3A_1 = vector.broadcast %broadcast_in_dim3A : f32 to vector<16xf32>
    %scan3A = arith.constant 0 : i32
    %scan3A_2 = arith.constant 0 : i32
    %scan3A_3 = arith.constant 128 : i32
    %scan3A_4 = arith.addi %scan3A_2, %scan3A_3 : i32
    %scan3A_5 = arith.constant 1 : i32
    scf.for %scan3A_41 = %scan3A_2 to %scan3A_4 step %scan3A_5  : i32 {
      %swap3A = arith.index_cast %scan3A_41 : i32 to index
      %swap3A_42 = arith.constant 0 : index
      %swap3A_43 = tpu.vector_load %arg8[%swap3A, %swap3A_42] {strides = array<i32>} : memref<128x128xf32, #tpu.memory_space<vmem>>, vector<1x16xf32>,
      %swap3A_44 = vector.shape_cast %swap3A_43 : vector<1x16xf32> to vector<16xf32>
      %swap3A_45 = vector.shape_cast %broadcast_in_dim3A_1 : vector<16xf32> to vector<1x16xf32>
      tpu.vector_store %arg8[%swap3A, %swap3A_42], %swap3A_45 {strides = array<i32>} : memref<128x128xf32, #tpu.memory_space<vmem>>, vector<1x16xf32>,
      %swap3A_46 = arith.index_cast %scan3A_41 : i32 to index
      %swap3A_47 = arith.constant 16 : index
      %swap3A_48 = tpu.vector_load %arg8[%swap3A_46, %swap3A_47] {strides = array<i32>} : memref<128x128xf32, #tpu.memory_space<vmem>>, vector<1x16xf32>,
      %swap3A_49 = vector.shape_cast %swap3A_48 : vector<1x16xf32> to vector<16xf32>
      %swap3A_50 = vector.shape_cast %broadcast_in_dim3A_1 : vector<16xf32> to vector<1x16xf32>
      tpu.vector_store %arg8[%swap3A_46, %swap3A_47], %swap3A_50 {strides = array<i32>} : memref<128x128xf32, #tpu.memory_space<vmem>>, vector<1x16xf32>,
      %swap3A_51 = arith.index_cast %scan3A_41 : i32 to index
      %swap3A_52 = arith.constant 32 : index
      %swap3A_53 = tpu.vector_load %arg8[%swap3A_51, %swap3A_52] {strides = array<i32>} : memref<128x128xf32, #tpu.memory_space<vmem>>, vector<1x16xf32>,
      %swap3A_54 = vector.shape_cast %swap3A_53 : vector<1x16xf32> to vector<16xf32>
      %swap3A_55 = vector.shape_cast %broadcast_in_dim3A_1 : vector<16xf32> to vector<1x16xf32>
      tpu.vector_store %arg8[%swap3A_51, %swap3A_52], %swap3A_55 {strides = array<i32>} : memref<128x128xf32, #tpu.memory_space<vmem>>, vector<1x16xf32>,
      %swap3A_56 = arith.index_cast %scan3A_41 : i32 to index
      %swap3A_57 = arith.constant 48 : index
      %swap3A_58 = tpu.vector_load %arg8[%swap3A_56, %swap3A_57] {strides = array<i32>} : memref<128x128xf32, #tpu.memory_space<vmem>>, vector<1x16xf32>,
      %swap3A_59 = vector.shape_cast %swap3A_58 : vector<1x16xf32> to vector<16xf32>
      %swap3A_60 = vector.shape_cast %broadcast_in_dim3A_1 : vector<16xf32> to vector<1x16xf32>
      tpu.vector_store %arg8[%swap3A_56, %swap3A_57], %swap3A_60 {strides = array<i32>} : memref<128x128xf32, #tpu.memory_space<vmem>>, vector<1x16xf32>,
      %swap3A_61 = arith.index_cast %scan3A_41 : i32 to index
      %swap3A_62 = arith.constant 64 : index
      %swap3A_63 = tpu.vector_load %arg8[%swap3A_61, %swap3A_62] {strides = array<i32>} : memref<128x128xf32, #tpu.memory_space<vmem>>, vector<1x16xf32>,
      %swap3A_64 = vector.shape_cast %swap3A_63 : vector<1x16xf32> to vector<16xf32>
      %swap3A_65 = vector.shape_cast %broadcast_in_dim3A_1 : vector<16xf32> to vector<1x16xf32>
      tpu.vector_store %arg8[%swap3A_61, %swap3A_62], %swap3A_65 {strides = array<i32>} : memref<128x128xf32, #tpu.memory_space<vmem>>, vector<1x16xf32>,
      %swap3A_66 = arith.index_cast %scan3A_41 : i32 to index
      %swap3A_67 = arith.constant 80 : index
      %swap3A_68 = tpu.vector_load %arg8[%swap3A_66, %swap3A_67] {strides = array<i32>} : memref<128x128xf32, #tpu.memory_space<vmem>>, vector<1x16xf32>,
      %swap3A_69 = vector.shape_cast %swap3A_68 : vector<1x16xf32> to vector<16xf32>
      %swap3A_70 = vector.shape_cast %broadcast_in_dim3A_1 : vector<16xf32> to vector<1x16xf32>
      tpu.vector_store %arg8[%swap3A_66, %swap3A_67], %swap3A_70 {strides = array<i32>} : memref<128x128xf32, #tpu.memory_space<vmem>>, vector<1x16xf32>,
      %swap3A_71 = arith.index_cast %scan3A_41 : i32 to index
      %swap3A_72 = arith.constant 96 : index
      %swap3A_73 = tpu.vector_load %arg8[%swap3A_71, %swap3A_72] {strides = array<i32>} : memref<128x128xf32, #tpu.memory_space<vmem>>, vector<1x16xf32>,
      %swap3A_74 = vector.shape_cast %swap3A_73 : vector<1x16xf32> to vector<16xf32>
      %swap3A_75 = vector.shape_cast %broadcast_in_dim3A_1 : vector<16xf32> to vector<1x16xf32>
      tpu.vector_store %arg8[%swap3A_71, %swap3A_72], %swap3A_75 {strides = array<i32>} : memref<128x128xf32, #tpu.memory_space<vmem>>, vector<1x16xf32>,
      %swap3A_76 = arith.index_cast %scan3A_41 : i32 to index
      %swap3A_77 = arith.constant 112 : index
      %swap3A_78 = tpu.vector_load %arg8[%swap3A_76, %swap3A_77] {strides = array<i32>} : memref<128x128xf32, #tpu.memory_space<vmem>>, vector<1x16xf32>,
      %swap3A_79 = vector.shape_cast %swap3A_78 : vector<1x16xf32> to vector<16xf32>
      %swap3A_80 = vector.shape_cast %broadcast_in_dim3A_1 : vector<16xf32> to vector<1x16xf32>
      tpu.vector_store %arg8[%swap3A_76, %swap3A_77], %swap3A_80 {strides = array<i32>} : memref<128x128xf32, #tpu.memory_space<vmem>>, vector<1x16xf32>,
    }
    %scan3A_6 = arith.constant 128 : i32
    %mul3A_7 = arith.constant 640 : i32
    %mul3A_8 = arith.muli %arg1, %mul3A_7 : i32
    %add3A_9 = arith.constant 0 : i32
    %add3A_10 = arith.addi %mul3A_8, %add3A_9 : i32
    "tpu.region"() ({
      %run_scoped3A = tpu.sem_alloc : memref<!tpu.dma_semaphore, #tpu.memory_space<semaphore_mem>>
      %dma_start3A = arith.constant 0 : i32
      %dma_start3A_41 = tpu.memref_slice %arg9[%add3A_10, %dma_start3A] : memref<10240x128xf32, #tpu.memory_space<vmem_shared>> -> memref<128x128xf32, #tpu.memory_space<vmem_shared>>
      %dma_start3A_42 = arith.constant 0 : i32
      %dma_start3A_43 = tpu.memref_slice %arg9[%add3A_10, %dma_start3A_42] : memref<10240x128xf32, #tpu.memory_space<vmem_shared>> -> memref<128x128xf32, #tpu.memory_space<vmem_shared>>
      tpu.enqueue_dma source(%arg8 : memref<128x128xf32, #tpu.memory_space<vmem>>) target(%dma_start3A_43 : memref<128x128xf32, #tpu.memory_space<vmem_shared>>) target_semaphore(%run_scoped3A : memref<!tpu.dma_semaphore, #tpu.memory_space<semaphore_mem>>)
      %dma_wait3A = arith.constant 0 : i32
      %dma_wait3A_44 = tpu.memref_slice %arg9[%add3A_10, %dma_wait3A] : memref<10240x128xf32, #tpu.memory_space<vmem_shared>> -> memref<128x128xf32, #tpu.memory_space<vmem_shared>>
      %dma_wait3A_45 = arith.constant 0 : i32
      %dma_wait3A_46 = tpu.memref_slice %arg9[%add3A_10, %dma_wait3A_45] : memref<10240x128xf32, #tpu.memory_space<vmem_shared>> -> memref<128x128xf32, #tpu.memory_space<vmem_shared>>
      tpu.wait_dma2 semaphore(%run_scoped3A : memref<!tpu.dma_semaphore, #tpu.memory_space<semaphore_mem>>) src(%arg8 : memref<128x128xf32, #tpu.memory_space<vmem>>) dst(%dma_wait3A_46 : memref<128x128xf32, #tpu.memory_space<vmem_shared>>)
      tpu.yield
    }) : () -> ()
    %mul3A_11 = arith.constant 640 : i32
    %mul3A_12 = arith.muli %arg1, %mul3A_11 : i32
    %add3A_13 = arith.constant 128 : i32
    %add3A_14 = arith.addi %mul3A_12, %add3A_13 : i32
    "tpu.region"() ({
      %run_scoped3A = tpu.sem_alloc : memref<!tpu.dma_semaphore, #tpu.memory_space<semaphore_mem>>
      %dma_start3A = arith.constant 0 : i32
      %dma_start3A_41 = tpu.memref_slice %arg9[%add3A_14, %dma_start3A] : memref<10240x128xf32, #tpu.memory_space<vmem_shared>> -> memref<128x128xf32, #tpu.memory_space<vmem_shared>>
      %dma_start3A_42 = arith.constant 0 : i32
      %dma_start3A_43 = tpu.memref_slice %arg9[%add3A_14, %dma_start3A_42] : memref<10240x128xf32, #tpu.memory_space<vmem_shared>> -> memref<128x128xf32, #tpu.memory_space<vmem_shared>>
      tpu.enqueue_dma source(%arg8 : memref<128x128xf32, #tpu.memory_space<vmem>>) target(%dma_start3A_43 : memref<128x128xf32, #tpu.memory_space<vmem_shared>>) target_semaphore(%run_scoped3A : memref<!tpu.dma_semaphore, #tpu.memory_space<semaphore_mem>>)
      %dma_wait3A = arith.constant 0 : i32
      %dma_wait3A_44 = tpu.memref_slice %arg9[%add3A_14, %dma_wait3A] : memref<10240x128xf32, #tpu.memory_space<vmem_shared>> -> memref<128x128xf32, #tpu.memory_space<vmem_shared>>
      %dma_wait3A_45 = arith.constant 0 : i32
      %dma_wait3A_46 = tpu.memref_slice %arg9[%add3A_14, %dma_wait3A_45] : memref<10240x128xf32, #tpu.memory_space<vmem_shared>> -> memref<128x128xf32, #tpu.memory_space<vmem_shared>>
      tpu.wait_dma2 semaphore(%run_scoped3A : memref<!tpu.dma_semaphore, #tpu.memory_space<semaphore_mem>>) src(%arg8 : memref<128x128xf32, #tpu.memory_space<vmem>>) dst(%dma_wait3A_46 : memref<128x128xf32, #tpu.memory_space<vmem_shared>>)
      tpu.yield
    }) : () -> ()
    %mul3A_15 = arith.constant 640 : i32
    %mul3A_16 = arith.muli %arg1, %mul3A_15 : i32
    %add3A_17 = arith.constant 256 : i32
    %add3A_18 = arith.addi %mul3A_16, %add3A_17 : i32
    "tpu.region"() ({
      %run_scoped3A = tpu.sem_alloc : memref<!tpu.dma_semaphore, #tpu.memory_space<semaphore_mem>>
      %dma_start3A = arith.constant 0 : i32
      %dma_start3A_41 = tpu.memref_slice %arg9[%add3A_18, %dma_start3A] : memref<10240x128xf32, #tpu.memory_space<vmem_shared>> -> memref<128x128xf32, #tpu.memory_space<vmem_shared>>
      %dma_start3A_42 = arith.constant 0 : i32
      %dma_start3A_43 = tpu.memref_slice %arg9[%add3A_18, %dma_start3A_42] : memref<10240x128xf32, #tpu.memory_space<vmem_shared>> -> memref<128x128xf32, #tpu.memory_space<vmem_shared>>
      tpu.enqueue_dma source(%arg8 : memref<128x128xf32, #tpu.memory_space<vmem>>) target(%dma_start3A_43 : memref<128x128xf32, #tpu.memory_space<vmem_shared>>) target_semaphore(%run_scoped3A : memref<!tpu.dma_semaphore, #tpu.memory_space<semaphore_mem>>)
      %dma_wait3A = arith.constant 0 : i32
      %dma_wait3A_44 = tpu.memref_slice %arg9[%add3A_18, %dma_wait3A] : memref<10240x128xf32, #tpu.memory_space<vmem_shared>> -> memref<128x128xf32, #tpu.memory_space<vmem_shared>>
      %dma_wait3A_45 = arith.constant 0 : i32
      %dma_wait3A_46 = tpu.memref_slice %arg9[%add3A_18, %dma_wait3A_45] : memref<10240x128xf32, #tpu.memory_space<vmem_shared>> -> memref<128x128xf32, #tpu.memory_space<vmem_shared>>
      tpu.wait_dma2 semaphore(%run_scoped3A : memref<!tpu.dma_semaphore, #tpu.memory_space<semaphore_mem>>) src(%arg8 : memref<128x128xf32, #tpu.memory_space<vmem>>) dst(%dma_wait3A_46 : memref<128x128xf32, #tpu.memory_space<vmem_shared>>)
      tpu.yield
    }) : () -> ()
    %mul3A_19 = arith.constant 640 : i32
    %mul3A_20 = arith.muli %arg1, %mul3A_19 : i32
    %add3A_21 = arith.constant 384 : i32
    %add3A_22 = arith.addi %mul3A_20, %add3A_21 : i32
    "tpu.region"() ({
      %run_scoped3A = tpu.sem_alloc : memref<!tpu.dma_semaphore, #tpu.memory_space<semaphore_mem>>
      %dma_start3A = arith.constant 0 : i32
      %dma_start3A_41 = tpu.memref_slice %arg9[%add3A_22, %dma_start3A] : memref<10240x128xf32, #tpu.memory_space<vmem_shared>> -> memref<128x128xf32, #tpu.memory_space<vmem_shared>>
      %dma_start3A_42 = arith.constant 0 : i32
      %dma_start3A_43 = tpu.memref_slice %arg9[%add3A_22, %dma_start3A_42] : memref<10240x128xf32, #tpu.memory_space<vmem_shared>> -> memref<128x128xf32, #tpu.memory_space<vmem_shared>>
      tpu.enqueue_dma source(%arg8 : memref<128x128xf32, #tpu.memory_space<vmem>>) target(%dma_start3A_43 : memref<128x128xf32, #tpu.memory_space<vmem_shared>>) target_semaphore(%run_scoped3A : memref<!tpu.dma_semaphore, #tpu.memory_space<semaphore_mem>>)
      %dma_wait3A = arith.constant 0 : i32
      %dma_wait3A_44 = tpu.memref_slice %arg9[%add3A_22, %dma_wait3A] : memref<10240x128xf32, #tpu.memory_space<vmem_shared>> -> memref<128x128xf32, #tpu.memory_space<vmem_shared>>
      %dma_wait3A_45 = arith.constant 0 : i32
      %dma_wait3A_46 = tpu.memref_slice %arg9[%add3A_22, %dma_wait3A_45] : memref<10240x128xf32, #tpu.memory_space<vmem_shared>> -> memref<128x128xf32, #tpu.memory_space<vmem_shared>>
      tpu.wait_dma2 semaphore(%run_scoped3A : memref<!tpu.dma_semaphore, #tpu.memory_space<semaphore_mem>>) src(%arg8 : memref<128x128xf32, #tpu.memory_space<vmem>>) dst(%dma_wait3A_46 : memref<128x128xf32, #tpu.memory_space<vmem_shared>>)
      tpu.yield
    }) : () -> ()
    %mul3A_23 = arith.constant 640 : i32
    %mul3A_24 = arith.muli %arg1, %mul3A_23 : i32
    %add3A_25 = arith.constant 512 : i32
    %add3A_26 = arith.addi %mul3A_24, %add3A_25 : i32
    "tpu.region"() ({
      %run_scoped3A = tpu.sem_alloc : memref<!tpu.dma_semaphore, #tpu.memory_space<semaphore_mem>>
      %dma_start3A = arith.constant 0 : i32
      %dma_start3A_41 = tpu.memref_slice %arg9[%add3A_26, %dma_start3A] : memref<10240x128xf32, #tpu.memory_space<vmem_shared>> -> memref<128x128xf32, #tpu.memory_space<vmem_shared>>
      %dma_start3A_42 = arith.constant 0 : i32
      %dma_start3A_43 = tpu.memref_slice %arg9[%add3A_26, %dma_start3A_42] : memref<10240x128xf32, #tpu.memory_space<vmem_shared>> -> memref<128x128xf32, #tpu.memory_space<vmem_shared>>
      tpu.enqueue_dma source(%arg8 : memref<128x128xf32, #tpu.memory_space<vmem>>) target(%dma_start3A_43 : memref<128x128xf32, #tpu.memory_space<vmem_shared>>) target_semaphore(%run_scoped3A : memref<!tpu.dma_semaphore, #tpu.memory_space<semaphore_mem>>)
      %dma_wait3A = arith.constant 0 : i32
      %dma_wait3A_44 = tpu.memref_slice %arg9[%add3A_26, %dma_wait3A] : memref<10240x128xf32, #tpu.memory_space<vmem_shared>> -> memref<128x128xf32, #tpu.memory_space<vmem_shared>>
      %dma_wait3A_45 = arith.constant 0 : i32
      %dma_wait3A_46 = tpu.memref_slice %arg9[%add3A_26, %dma_wait3A_45] : memref<10240x128xf32, #tpu.memory_space<vmem_shared>> -> memref<128x128xf32, #tpu.memory_space<vmem_shared>>
      tpu.wait_dma2 semaphore(%run_scoped3A : memref<!tpu.dma_semaphore, #tpu.memory_space<semaphore_mem>>) src(%arg8 : memref<128x128xf32, #tpu.memory_space<vmem>>) dst(%dma_wait3A_46 : memref<128x128xf32, #tpu.memory_space<vmem_shared>>)
      tpu.yield
    }) : () -> ()
    %barrier3A = arith.constant 0 : index
    tpu.barrier barrier_id(%barrier3A)
    "tpu.region"() ({
      %run_scoped3A = tpu.sem_alloc : memref<!tpu.dma_semaphore, #tpu.memory_space<semaphore_mem>>
      %dma_start3A = arith.constant 0 : i32
      %dma_start3A_41 = arith.constant 0 : i32
      %dma_start3A_42 = tpu.memref_slice %arg3[%add3A, %dma_start3A, %dma_start3A_41] : memref<32x79x128xi32, #tpu.memory_space<hbm>> -> memref<1x79x128xi32, #tpu.memory_space<hbm>>
      %dma_start3A_43 = tpu.memref_squeeze %dma_start3A_42 : memref<1x79x128xi32, #tpu.memory_space<hbm>> -> memref<79x128xi32, #tpu.memory_space<hbm>>
      %dma_start3A_44 = arith.constant 0 : i32
      %dma_start3A_45 = arith.constant 0 : i32
      %dma_start3A_46 = tpu.memref_slice %arg3[%add3A, %dma_start3A_44, %dma_start3A_45] : memref<32x79x128xi32, #tpu.memory_space<hbm>> -> memref<1x79x128xi32, #tpu.memory_space<hbm>>
      %dma_start3A_47 = tpu.memref_squeeze %dma_start3A_46 : memref<1x79x128xi32, #tpu.memory_space<hbm>> -> memref<79x128xi32, #tpu.memory_space<hbm>>
      tpu.enqueue_dma source(%dma_start3A_47 : memref<79x128xi32, #tpu.memory_space<hbm>>) target(%arg6 : memref<79x128xi32, #tpu.memory_space<vmem>>) target_semaphore(%run_scoped3A : memref<!tpu.dma_semaphore, #tpu.memory_space<semaphore_mem>>)
      %dma_wait3A = arith.constant 0 : i32
      %dma_wait3A_48 = arith.constant 0 : i32
      %dma_wait3A_49 = tpu.memref_slice %arg3[%add3A, %dma_wait3A, %dma_wait3A_48] : memref<32x79x128xi32, #tpu.memory_space<hbm>> -> memref<1x79x128xi32, #tpu.memory_space<hbm>>
      %dma_wait3A_50 = tpu.memref_squeeze %dma_wait3A_49 : memref<1x79x128xi32, #tpu.memory_space<hbm>> -> memref<79x128xi32, #tpu.memory_space<hbm>>
      %dma_wait3A_51 = arith.constant 0 : i32
      %dma_wait3A_52 = arith.constant 0 : i32
      %dma_wait3A_53 = tpu.memref_slice %arg3[%add3A, %dma_wait3A_51, %dma_wait3A_52] : memref<32x79x128xi32, #tpu.memory_space<hbm>> -> memref<1x79x128xi32, #tpu.memory_space<hbm>>
      %dma_wait3A_54 = tpu.memref_squeeze %dma_wait3A_53 : memref<1x79x128xi32, #tpu.memory_space<hbm>> -> memref<79x128xi32, #tpu.memory_space<hbm>>
      tpu.wait_dma2 semaphore(%run_scoped3A : memref<!tpu.dma_semaphore, #tpu.memory_space<semaphore_mem>>) src(%dma_wait3A_54 : memref<79x128xi32, #tpu.memory_space<hbm>>) dst(%arg6 : memref<79x128xi32, #tpu.memory_space<vmem>>)
      tpu.yield
    }) : () -> ()
    "tpu.region"() ({
      %run_scoped3A = tpu.sem_alloc : memref<!tpu.dma_semaphore, #tpu.memory_space<semaphore_mem>>
      %dma_start3A = arith.constant 0 : i32
      %dma_start3A_41 = arith.constant 0 : i32
      %dma_start3A_42 = tpu.memref_slice %arg4[%add3A, %dma_start3A, %dma_start3A_41] : memref<32x79x128xi32, #tpu.memory_space<hbm>> -> memref<1x79x128xi32, #tpu.memory_space<hbm>>
      %dma_start3A_43 = tpu.memref_squeeze %dma_start3A_42 : memref<1x79x128xi32, #tpu.memory_space<hbm>> -> memref<79x128xi32, #tpu.memory_space<hbm>>
      %dma_start3A_44 = arith.constant 0 : i32
      %dma_start3A_45 = arith.constant 0 : i32
      %dma_start3A_46 = tpu.memref_slice %arg4[%add3A, %dma_start3A_44, %dma_start3A_45] : memref<32x79x128xi32, #tpu.memory_space<hbm>> -> memref<1x79x128xi32, #tpu.memory_space<hbm>>
      %dma_start3A_47 = tpu.memref_squeeze %dma_start3A_46 : memref<1x79x128xi32, #tpu.memory_space<hbm>> -> memref<79x128xi32, #tpu.memory_space<hbm>>
      tpu.enqueue_dma source(%dma_start3A_47 : memref<79x128xi32, #tpu.memory_space<hbm>>) target(%arg7 : memref<79x128xi32, #tpu.memory_space<vmem>>) target_semaphore(%run_scoped3A : memref<!tpu.dma_semaphore, #tpu.memory_space<semaphore_mem>>)
      %dma_wait3A = arith.constant 0 : i32
      %dma_wait3A_48 = arith.constant 0 : i32
      %dma_wait3A_49 = tpu.memref_slice %arg4[%add3A, %dma_wait3A, %dma_wait3A_48] : memref<32x79x128xi32, #tpu.memory_space<hbm>> -> memref<1x79x128xi32, #tpu.memory_space<hbm>>
      %dma_wait3A_50 = tpu.memref_squeeze %dma_wait3A_49 : memref<1x79x128xi32, #tpu.memory_space<hbm>> -> memref<79x128xi32, #tpu.memory_space<hbm>>
      %dma_wait3A_51 = arith.constant 0 : i32
      %dma_wait3A_52 = arith.constant 0 : i32
      %dma_wait3A_53 = tpu.memref_slice %arg4[%add3A, %dma_wait3A_51, %dma_wait3A_52] : memref<32x79x128xi32, #tpu.memory_space<hbm>> -> memref<1x79x128xi32, #tpu.memory_space<hbm>>
      %dma_wait3A_54 = tpu.memref_squeeze %dma_wait3A_53 : memref<1x79x128xi32, #tpu.memory_space<hbm>> -> memref<79x128xi32, #tpu.memory_space<hbm>>
      tpu.wait_dma2 semaphore(%run_scoped3A : memref<!tpu.dma_semaphore, #tpu.memory_space<semaphore_mem>>) src(%dma_wait3A_54 : memref<79x128xi32, #tpu.memory_space<hbm>>) dst(%arg7 : memref<79x128xi32, #tpu.memory_space<vmem>>)
      tpu.yield
    }) : () -> ()
    %scan3A_27 = arith.constant 0 : i32
    %scan3A_28 = arith.constant 0 : i32
    %scan3A_29 = arith.constant 79 : i32
    %scan3A_30 = arith.addi %scan3A_28, %scan3A_29 : i32
    %scan3A_31 = arith.constant 1 : i32
    scf.for %scan3A_41 = %scan3A_28 to %scan3A_30 step %scan3A_31  : i32 {
      "tpu.region"() ({
        %run_scoped3A = tpu.sem_alloc : memref<!tpu.dma_semaphore, #tpu.memory_space<semaphore_mem>>
        %dma_start3A = arith.constant 0 : i32
        %dma_start3A_42 = tpu.memref_slice %arg6[%scan3A_41, %dma_start3A] : memref<79x128xi32, #tpu.memory_space<vmem>> -> memref<1x128xi32, #tpu.memory_space<vmem>>
        %dma_start3A_43 = tpu.memref_squeeze %dma_start3A_42 : memref<1x128xi32, #tpu.memory_space<vmem>> -> memref<128xi32, #tpu.memory_space<vmem>>
        %dma_start3A_44 = arith.constant 0 : i32
        %dma_start3A_45 = arith.constant 0 : i32
        %dma_start3A_46 = tpu.memref_slice %arg2[%dma_start3A_44, %dma_start3A_45] : memref<10000x128xf32, #tpu.memory_space<hbm>> -> memref<10000x128xf32, #tpu.memory_space<hbm>>
        tpu.enqueue_indirect_dma source(%dma_start3A_46 : memref<10000x128xf32, #tpu.memory_space<hbm>>) target(%arg8 : memref<128x128xf32, #tpu.memory_space<vmem>>) offsets(%dma_start3A_43 : memref<128xi32, #tpu.memory_space<vmem>>) semaphore(%run_scoped3A : memref<!tpu.dma_semaphore, #tpu.memory_space<semaphore_mem>>)
        %dma_wait3A = arith.constant 0 : i32
        %dma_wait3A_47 = tpu.memref_slice %arg6[%scan3A_41, %dma_wait3A] : memref<79x128xi32, #tpu.memory_space<vmem>> -> memref<1x128xi32, #tpu.memory_space<vmem>>
        %dma_wait3A_48 = tpu.memref_squeeze %dma_wait3A_47 : memref<1x128xi32, #tpu.memory_space<vmem>> -> memref<128xi32, #tpu.memory_space<vmem>>
        %dma_wait3A_49 = arith.constant 0 : i32
        %dma_wait3A_50 = arith.constant 0 : i32
        %dma_wait3A_51 = tpu.memref_slice %arg2[%dma_wait3A_49, %dma_wait3A_50] : memref<10000x128xf32, #tpu.memory_space<hbm>> -> memref<10000x128xf32, #tpu.memory_space<hbm>>
        tpu.wait_indirect_dma semaphore(%run_scoped3A : memref<!tpu.dma_semaphore, #tpu.memory_space<semaphore_mem>>) src(%dma_wait3A_51 : memref<10000x128xf32, #tpu.memory_space<hbm>>) dst(%arg8 : memref<128x128xf32, #tpu.memory_space<vmem>>)
        tpu.yield
      }) : () -> ()
      "tpu.region"() ({
        %run_scoped3A = tpu.sem_alloc : memref<!tpu.dma_semaphore, #tpu.memory_space<semaphore_mem>>
        %dma_start3A = arith.constant 0 : i32
        %dma_start3A_42 = tpu.memref_slice %arg7[%scan3A_41, %dma_start3A] : memref<79x128xi32, #tpu.memory_space<vmem>> -> memref<1x128xi32, #tpu.memory_space<vmem>>
        %dma_start3A_43 = tpu.memref_squeeze %dma_start3A_42 : memref<1x128xi32, #tpu.memory_space<vmem>> -> memref<128xi32, #tpu.memory_space<vmem>>
        %dma_start3A_44 = arith.constant 0 : i32
        %dma_start3A_45 = arith.constant 0 : i32
        %dma_start3A_46 = tpu.memref_slice %arg9[%dma_start3A_44, %dma_start3A_45] : memref<10240x128xf32, #tpu.memory_space<vmem_shared>> -> memref<10240x128xf32, #tpu.memory_space<vmem_shared>>
        tpu.enqueue_indirect_dma source(%arg8 : memref<128x128xf32, #tpu.memory_space<vmem>>) target(%dma_start3A_46 : memref<10240x128xf32, #tpu.memory_space<vmem_shared>>) offsets(%dma_start3A_43 : memref<128xi32, #tpu.memory_space<vmem>>) semaphore(%run_scoped3A : memref<!tpu.dma_semaphore, #tpu.memory_space<semaphore_mem>>) {add = true}
        %dma_wait3A = arith.constant 0 : i32
        %dma_wait3A_47 = tpu.memref_slice %arg7[%scan3A_41, %dma_wait3A] : memref<79x128xi32, #tpu.memory_space<vmem>> -> memref<1x128xi32, #tpu.memory_space<vmem>>
        %dma_wait3A_48 = tpu.memref_squeeze %dma_wait3A_47 : memref<1x128xi32, #tpu.memory_space<vmem>> -> memref<128xi32, #tpu.memory_space<vmem>>
        %dma_wait3A_49 = arith.constant 0 : i32
        %dma_wait3A_50 = arith.constant 0 : i32
        %dma_wait3A_51 = tpu.memref_slice %arg9[%dma_wait3A_49, %dma_wait3A_50] : memref<10240x128xf32, #tpu.memory_space<vmem_shared>> -> memref<10240x128xf32, #tpu.memory_space<vmem_shared>>
        tpu.wait_indirect_dma semaphore(%run_scoped3A : memref<!tpu.dma_semaphore, #tpu.memory_space<semaphore_mem>>) src(%arg8 : memref<128x128xf32, #tpu.memory_space<vmem>>) dst(%dma_wait3A_51 : memref<10240x128xf32, #tpu.memory_space<vmem_shared>>)
        tpu.yield
      }) : () -> ()
    }
    %scan3A_32 = arith.constant 79 : i32
    %barrier3A_33 = arith.constant 0 : index
    tpu.barrier barrier_id(%barrier3A_33)
    %mul3A_34 = arith.constant 640 : i32
    %mul3A_35 = arith.muli %arg1, %mul3A_34 : i32
    %mul3A_36 = arith.constant 10240 : i32
    %mul3A_37 = arith.muli %arg0, %mul3A_36 : i32
    %mul3A_38 = arith.constant 640 : i32
    %mul3A_39 = arith.muli %arg1, %mul3A_38 : i32
    %add3A_40 = arith.addi %mul3A_37, %mul3A_39 : i32
    "tpu.region"() ({
      %run_scoped3A = tpu.sem_alloc : memref<!tpu.dma_semaphore, #tpu.memory_space<semaphore_mem>>
      %dma_start3A = arith.constant 0 : i32
      %dma_start3A_41 = tpu.memref_slice %arg5[%add3A_40, %dma_start3A] : memref<20480x128xf32, #tpu.memory_space<hbm>> -> memref<640x128xf32, #tpu.memory_space<hbm>>
      %dma_start3A_42 = arith.constant 0 : i32
      %dma_start3A_43 = tpu.memref_slice %arg9[%mul3A_35, %dma_start3A_42] : memref<10240x128xf32, #tpu.memory_space<vmem_shared>> -> memref<640x128xf32, #tpu.memory_space<vmem_shared>>
      tpu.enqueue_dma source(%dma_start3A_43 : memref<640x128xf32, #tpu.memory_space<vmem_shared>>) target(%dma_start3A_41 : memref<640x128xf32, #tpu.memory_space<hbm>>) target_semaphore(%run_scoped3A : memref<!tpu.dma_semaphore, #tpu.memory_space<semaphore_mem>>)
      %dma_wait3A = arith.constant 0 : i32
      %dma_wait3A_44 = tpu.memref_slice %arg5[%add3A_40, %dma_wait3A] : memref<20480x128xf32, #tpu.memory_space<hbm>> -> memref<640x128xf32, #tpu.memory_space<hbm>>
      %dma_wait3A_45 = arith.constant 0 : i32
      %dma_wait3A_46 = tpu.memref_slice %arg9[%mul3A_35, %dma_wait3A_45] : memref<10240x128xf32, #tpu.memory_space<vmem_shared>> -> memref<640x128xf32, #tpu.memory_space<vmem_shared>>
      tpu.wait_dma2 semaphore(%run_scoped3A : memref<!tpu.dma_semaphore, #tpu.memory_space<semaphore_mem>>) src(%dma_wait3A_46 : memref<640x128xf32, #tpu.memory_space<vmem_shared>>) dst(%dma_wait3A_44 : memref<640x128xf32, #tpu.memory_space<hbm>>)
      tpu.yield
    }) : () -> ()
    return
  }
}

module attributes {stable_mosaic.version = 14 : i64} {
  func.func @_dense_body(%arg0: i32, %arg1: memref<1000x128xf32, #tpu.memory_space<vmem>>, %arg2: memref<1000x128xf32, #tpu.memory_space<vmem>>, %arg3: memref<1000x128xf32, #tpu.memory_space<vmem>>, %arg4: memref<1000x128xf32, #tpu.memory_space<vmem>>, %arg5: memref<1000x128xf32, #tpu.memory_space<vmem>>, %arg6: memref<128x128xf32, #tpu.memory_space<vmem>>, %arg7: memref<128x128xf32, #tpu.memory_space<vmem>>, %arg8: memref<1x128xf32, #tpu.memory_space<vmem>>, %arg9: memref<1000x128xf32, #tpu.memory_space<vmem>>) attributes {dimension_semantics = [#tpu.dimension_semantics<arbitrary>], iteration_bounds = array<i64: 10>, scalar_prefetch = 0 : i64, scratch_operands = 0 : i64, tpu.core_type = #tpu.core_type<tc>, window_params = [{transform_indices = @transform_0, window_bounds = array<i64: 1000, 128>}, {transform_indices = @transform_1, window_bounds = array<i64: 1000, 128>}, {transform_indices = @transform_2, window_bounds = array<i64: 1000, 128>}, {transform_indices = @transform_3, window_bounds = array<i64: 1000, 128>}, {transform_indices = @transform_4, window_bounds = array<i64: 1000, 128>}, {pipeline_mode = #tpu.pipeline_mode<synchronous>, transform_indices = @transform_5, window_bounds = array<i64: 128, 128>}, {pipeline_mode = #tpu.pipeline_mode<synchronous>, transform_indices = @transform_6, window_bounds = array<i64: 128, 128>}, {pipeline_mode = #tpu.pipeline_mode<synchronous>, transform_indices = @transform_7, window_bounds = array<i64: 1, 128>}, {transform_indices = @transform_8, window_bounds = array<i64: 1000, 128>}]} {
    %get3A = arith.constant 0 : index
    %get3A_0 = arith.constant 0 : index
    %get3A_1 = vector.load %arg1[%get3A, %get3A_0] : memref<1000x128xf32, #tpu.memory_space<vmem>>, vector<1000x1xf32>
    %get3A_2 = arith.constant 0 : index
    %get3A_3 = arith.constant 0 : index
    %get3A_4 = vector.load %arg2[%get3A_2, %get3A_3] : memref<1000x128xf32, #tpu.memory_space<vmem>>, vector<1000x1xf32>
    %add3A = arith.addf %get3A_1, %get3A_4 : vector<1000x1xf32>
    %max3A = arith.constant 1.000000e+00 : f32
    %max3A_5 = vector.broadcast %max3A : f32 to vector<1000x1xf32>
    %max3A_6 = arith.maximumf %add3A, %max3A_5 : vector<1000x1xf32>
    %div3A = arith.constant 1.000000e+00 : f32
    %div3A_7 = vector.broadcast %div3A : f32 to vector<1000x1xf32>
    %div3A_8 = arith.divf %div3A_7, %max3A_6 : vector<1000x1xf32>
    %get3A_9 = arith.constant 0 : index
    %get3A_10 = arith.constant 0 : index
    %get3A_11 = vector.load %arg3[%get3A_9, %get3A_10] : memref<1000x128xf32, #tpu.memory_space<vmem>>, vector<1000x128xf32>
    %get3A_12 = arith.constant 0 : index
    %get3A_13 = arith.constant 0 : index
    %get3A_14 = vector.load %arg4[%get3A_12, %get3A_13] : memref<1000x128xf32, #tpu.memory_space<vmem>>, vector<1000x128xf32>
    %add3A_15 = arith.addf %get3A_11, %get3A_14 : vector<1000x128xf32>
    %mul3A = vector.broadcast %div3A_8 : vector<1000x1xf32> to vector<1000x128xf32>
    %mul3A_16 = arith.mulf %add3A_15, %mul3A : vector<1000x128xf32>
    %get3A_17 = arith.constant 0 : index
    %get3A_18 = arith.constant 0 : index
    %get3A_19 = vector.load %arg6[%get3A_17, %get3A_18] : memref<128x128xf32, #tpu.memory_space<vmem>>, vector<128x128xf32>
    %dot_general3A = arith.constant dense<0.000000e+00> : vector<1000x128xf32>
    %dot_general3A_20 = tpu.matmul %mul3A_16, %get3A_19, %dot_general3A {dimension_numbers = #tpu.dot_dimension_numbers<[1], [0], [0], [1], [0, 0, 1, 1], [], []>, transpose_lhs_hint = false} : vector<1000x128xf32>, vector<128x128xf32>, vector<1000x128xf32> -> vector<1000x128xf32>
    %get3A_21 = arith.constant 0 : index
    %get3A_22 = arith.constant 0 : index
    %get3A_23 = vector.load %arg5[%get3A_21, %get3A_22] : memref<1000x128xf32, #tpu.memory_space<vmem>>, vector<1000x128xf32>
    %get3A_24 = arith.constant 0 : index
    %get3A_25 = arith.constant 0 : index
    %get3A_26 = vector.load %arg7[%get3A_24, %get3A_25] : memref<128x128xf32, #tpu.memory_space<vmem>>, vector<128x128xf32>
    %dot_general3A_27 = arith.constant dense<0.000000e+00> : vector<1000x128xf32>
    %dot_general3A_28 = tpu.matmul %get3A_23, %get3A_26, %dot_general3A_27 {dimension_numbers = #tpu.dot_dimension_numbers<[1], [0], [0], [1], [0, 0, 1, 1], [], []>, transpose_lhs_hint = false} : vector<1000x128xf32>, vector<128x128xf32>, vector<1000x128xf32> -> vector<1000x128xf32>
    %add3A_29 = arith.addf %dot_general3A_20, %dot_general3A_28 : vector<1000x128xf32>
    %get3A_30 = arith.constant 0 : index
    %get3A_31 = arith.constant 0 : index
    %get3A_32 = vector.load %arg8[%get3A_30, %get3A_31] : memref<1x128xf32, #tpu.memory_space<vmem>>, vector<1x128xf32>
    %add3A_33 = vector.broadcast %get3A_32 : vector<1x128xf32> to vector<1000x128xf32>
    %add3A_34 = arith.addf %add3A_29, %add3A_33 : vector<1000x128xf32>
    %max3A_35 = arith.constant 0.000000e+00 : f32
    %max3A_36 = vector.broadcast %max3A_35 : f32 to vector<1000x128xf32>
    %max3A_37 = arith.maximumf %add3A_34, %max3A_36 : vector<1000x128xf32>
    %swap3A = arith.constant 0 : index
    %swap3A_38 = arith.constant 0 : index
    %swap3A_39 = vector.load %arg9[%swap3A, %swap3A_38] : memref<1000x128xf32, #tpu.memory_space<vmem>>, vector<1000x128xf32>
    tpu.vector_store %arg9[%swap3A, %swap3A_38], %max3A_37 {strides = array<i32>} : memref<1000x128xf32, #tpu.memory_space<vmem>>, vector<1000x128xf32>,
    return
  }
  func.func @transform_0(%arg0: i32) -> (i32, i32) {
    %c0_i32 = arith.constant 0 : i32
    %c0_i32_0 = arith.constant 0 : i32
    return %arg0, %c0_i32 : i32, i32
  }
  func.func @transform_1(%arg0: i32) -> (i32, i32) {
    %c0_i32 = arith.constant 0 : i32
    %c0_i32_0 = arith.constant 0 : i32
    return %arg0, %c0_i32 : i32, i32
  }
  func.func @transform_2(%arg0: i32) -> (i32, i32) {
    %c0_i32 = arith.constant 0 : i32
    %c0_i32_0 = arith.constant 0 : i32
    return %arg0, %c0_i32 : i32, i32
  }
  func.func @transform_3(%arg0: i32) -> (i32, i32) {
    %c0_i32 = arith.constant 0 : i32
    %c0_i32_0 = arith.constant 0 : i32
    return %arg0, %c0_i32 : i32, i32
  }
  func.func @transform_4(%arg0: i32) -> (i32, i32) {
    %c0_i32 = arith.constant 0 : i32
    %c0_i32_0 = arith.constant 0 : i32
    return %arg0, %c0_i32 : i32, i32
  }
  func.func @transform_5(%arg0: i32) -> (i32, i32) {
    %c0_i32 = arith.constant 0 : i32
    %c0_i32_0 = arith.constant 0 : i32
    %c0_i32_1 = arith.constant 0 : i32
    return %c0_i32, %c0_i32_0 : i32, i32
  }
  func.func @transform_6(%arg0: i32) -> (i32, i32) {
    %c0_i32 = arith.constant 0 : i32
    %c0_i32_0 = arith.constant 0 : i32
    %c0_i32_1 = arith.constant 0 : i32
    return %c0_i32, %c0_i32_0 : i32, i32
  }
  func.func @transform_7(%arg0: i32) -> (i32, i32) {
    %c0_i32 = arith.constant 0 : i32
    %c0_i32_0 = arith.constant 0 : i32
    %c0_i32_1 = arith.constant 0 : i32
    return %c0_i32, %c0_i32_0 : i32, i32
  }
  func.func @transform_8(%arg0: i32) -> (i32, i32) {
    %c0_i32 = arith.constant 0 : i32
    %c0_i32_0 = arith.constant 0 : i32
    return %arg0, %c0_i32 : i32, i32
  }
}

module attributes {stable_mosaic.version = 14 : i64} {
  func.func @_final_body(%arg0: i32, %arg1: memref<1000x128xf32, #tpu.memory_space<vmem>>, %arg2: memref<1000x128xf32, #tpu.memory_space<vmem>>, %arg3: memref<1000x128xf32, #tpu.memory_space<vmem>>, %arg4: memref<1000x128xf32, #tpu.memory_space<vmem>>, %arg5: memref<1000x128xf32, #tpu.memory_space<vmem>>, %arg6: memref<128x128xf32, #tpu.memory_space<vmem>>, %arg7: memref<128x128xf32, #tpu.memory_space<vmem>>, %arg8: memref<1x128xf32, #tpu.memory_space<vmem>>, %arg9: memref<128x16xf32, #tpu.memory_space<vmem>>, %arg10: memref<1x16xf32, #tpu.memory_space<vmem>>, %arg11: memref<1000x128xf32, #tpu.memory_space<vmem>>, %arg12: memref<1000x16xf32, #tpu.memory_space<vmem>>) attributes {dimension_semantics = [#tpu.dimension_semantics<arbitrary>], iteration_bounds = array<i64: 10>, scalar_prefetch = 0 : i64, scratch_operands = 0 : i64, tpu.core_type = #tpu.core_type<tc>, window_params = [{transform_indices = @transform_0, window_bounds = array<i64: 1000, 128>}, {transform_indices = @transform_1, window_bounds = array<i64: 1000, 128>}, {transform_indices = @transform_2, window_bounds = array<i64: 1000, 128>}, {transform_indices = @transform_3, window_bounds = array<i64: 1000, 128>}, {transform_indices = @transform_4, window_bounds = array<i64: 1000, 128>}, {pipeline_mode = #tpu.pipeline_mode<synchronous>, transform_indices = @transform_5, window_bounds = array<i64: 128, 128>}, {pipeline_mode = #tpu.pipeline_mode<synchronous>, transform_indices = @transform_6, window_bounds = array<i64: 128, 128>}, {pipeline_mode = #tpu.pipeline_mode<synchronous>, transform_indices = @transform_7, window_bounds = array<i64: 1, 128>}, {pipeline_mode = #tpu.pipeline_mode<synchronous>, transform_indices = @transform_8, window_bounds = array<i64: 128, 16>}, {pipeline_mode = #tpu.pipeline_mode<synchronous>, transform_indices = @transform_9, window_bounds = array<i64: 1, 16>}, {transform_indices = @transform_10, window_bounds = array<i64: 1000, 128>}, {transform_indices = @transform_11, window_bounds = array<i64: 1000, 16>}]} {
    %get3A = arith.constant 0 : index
    %get3A_0 = arith.constant 0 : index
    %get3A_1 = vector.load %arg1[%get3A, %get3A_0] : memref<1000x128xf32, #tpu.memory_space<vmem>>, vector<1000x1xf32>
    %get3A_2 = arith.constant 0 : index
    %get3A_3 = arith.constant 0 : index
    %get3A_4 = vector.load %arg2[%get3A_2, %get3A_3] : memref<1000x128xf32, #tpu.memory_space<vmem>>, vector<1000x1xf32>
    %add3A = arith.addf %get3A_1, %get3A_4 : vector<1000x1xf32>
    %max3A = arith.constant 1.000000e+00 : f32
    %max3A_5 = vector.broadcast %max3A : f32 to vector<1000x1xf32>
    %max3A_6 = arith.maximumf %add3A, %max3A_5 : vector<1000x1xf32>
    %div3A = arith.constant 1.000000e+00 : f32
    %div3A_7 = vector.broadcast %div3A : f32 to vector<1000x1xf32>
    %div3A_8 = arith.divf %div3A_7, %max3A_6 : vector<1000x1xf32>
    %get3A_9 = arith.constant 0 : index
    %get3A_10 = arith.constant 0 : index
    %get3A_11 = vector.load %arg3[%get3A_9, %get3A_10] : memref<1000x128xf32, #tpu.memory_space<vmem>>, vector<1000x128xf32>
    %get3A_12 = arith.constant 0 : index
    %get3A_13 = arith.constant 0 : index
    %get3A_14 = vector.load %arg4[%get3A_12, %get3A_13] : memref<1000x128xf32, #tpu.memory_space<vmem>>, vector<1000x128xf32>
    %add3A_15 = arith.addf %get3A_11, %get3A_14 : vector<1000x128xf32>
    %mul3A = vector.broadcast %div3A_8 : vector<1000x1xf32> to vector<1000x128xf32>
    %mul3A_16 = arith.mulf %add3A_15, %mul3A : vector<1000x128xf32>
    %get3A_17 = arith.constant 0 : index
    %get3A_18 = arith.constant 0 : index
    %get3A_19 = vector.load %arg6[%get3A_17, %get3A_18] : memref<128x128xf32, #tpu.memory_space<vmem>>, vector<128x128xf32>
    %dot_general3A = arith.constant dense<0.000000e+00> : vector<1000x128xf32>
    %dot_general3A_20 = tpu.matmul %mul3A_16, %get3A_19, %dot_general3A {dimension_numbers = #tpu.dot_dimension_numbers<[1], [0], [0], [1], [0, 0, 1, 1], [], []>, transpose_lhs_hint = false} : vector<1000x128xf32>, vector<128x128xf32>, vector<1000x128xf32> -> vector<1000x128xf32>
    %get3A_21 = arith.constant 0 : index
    %get3A_22 = arith.constant 0 : index
    %get3A_23 = vector.load %arg5[%get3A_21, %get3A_22] : memref<1000x128xf32, #tpu.memory_space<vmem>>, vector<1000x128xf32>
    %get3A_24 = arith.constant 0 : index
    %get3A_25 = arith.constant 0 : index
    %get3A_26 = vector.load %arg7[%get3A_24, %get3A_25] : memref<128x128xf32, #tpu.memory_space<vmem>>, vector<128x128xf32>
    %dot_general3A_27 = arith.constant dense<0.000000e+00> : vector<1000x128xf32>
    %dot_general3A_28 = tpu.matmul %get3A_23, %get3A_26, %dot_general3A_27 {dimension_numbers = #tpu.dot_dimension_numbers<[1], [0], [0], [1], [0, 0, 1, 1], [], []>, transpose_lhs_hint = false} : vector<1000x128xf32>, vector<128x128xf32>, vector<1000x128xf32> -> vector<1000x128xf32>
    %add3A_29 = arith.addf %dot_general3A_20, %dot_general3A_28 : vector<1000x128xf32>
    %get3A_30 = arith.constant 0 : index
    %get3A_31 = arith.constant 0 : index
    %get3A_32 = vector.load %arg8[%get3A_30, %get3A_31] : memref<1x128xf32, #tpu.memory_space<vmem>>, vector<1x128xf32>
    %add3A_33 = vector.broadcast %get3A_32 : vector<1x128xf32> to vector<1000x128xf32>
    %add3A_34 = arith.addf %add3A_29, %add3A_33 : vector<1000x128xf32>
    %swap3A = arith.constant 0 : index
    %swap3A_35 = arith.constant 0 : index
    %swap3A_36 = vector.load %arg11[%swap3A, %swap3A_35] : memref<1000x128xf32, #tpu.memory_space<vmem>>, vector<1000x128xf32>
    tpu.vector_store %arg11[%swap3A, %swap3A_35], %add3A_34 {strides = array<i32>} : memref<1000x128xf32, #tpu.memory_space<vmem>>, vector<1000x128xf32>,
    %get3A_37 = arith.constant 0 : index
    %get3A_38 = arith.constant 0 : index
    %get3A_39 = vector.load %arg9[%get3A_37, %get3A_38] : memref<128x16xf32, #tpu.memory_space<vmem>>, vector<128x16xf32>
    %dot_general3A_40 = arith.constant dense<0.000000e+00> : vector<1000x16xf32>
    %dot_general3A_41 = tpu.matmul %add3A_34, %get3A_39, %dot_general3A_40 {dimension_numbers = #tpu.dot_dimension_numbers<[1], [0], [0], [1], [0, 0, 1, 1], [], []>, transpose_lhs_hint = false} : vector<1000x128xf32>, vector<128x16xf32>, vector<1000x16xf32> -> vector<1000x16xf32>
    %get3A_42 = arith.constant 0 : index
    %get3A_43 = arith.constant 0 : index
    %get3A_44 = vector.load %arg10[%get3A_42, %get3A_43] : memref<1x16xf32, #tpu.memory_space<vmem>>, vector<1x16xf32>
    %add3A_45 = vector.broadcast %get3A_44 : vector<1x16xf32> to vector<1000x16xf32>
    %add3A_46 = arith.addf %dot_general3A_41, %add3A_45 : vector<1000x16xf32>
    %reduce_max3A = arith.constant dense<0xFF800000> : vector<1000xf32>
    %reduce_max3A_47 = vector.multi_reduction <maximumf>, %add3A_46, %reduce_max3A [1] : vector<1000x16xf32> to vector<1000xf32>
    %broadcast_in_dim3A = vector.shape_cast %reduce_max3A_47 : vector<1000xf32> to vector<1000x1xf32>
    %sub3A = vector.broadcast %broadcast_in_dim3A : vector<1000x1xf32> to vector<1000x16xf32>
    %sub3A_48 = arith.subf %add3A_46, %sub3A : vector<1000x16xf32>
    %exp3A = math.exp %sub3A_48 : vector<1000x16xf32>
    %sub3A_49 = vector.broadcast %broadcast_in_dim3A : vector<1000x1xf32> to vector<1000x16xf32>
    %sub3A_50 = arith.subf %add3A_46, %sub3A_49 : vector<1000x16xf32>
    %reduce_sum3A = arith.constant dense<0.000000e+00> : vector<1000xf32>
    %reduce_sum3A_51 = vector.multi_reduction <add>, %exp3A, %reduce_sum3A [1] : vector<1000x16xf32> to vector<1000xf32>
    %broadcast_in_dim3A_52 = vector.shape_cast %reduce_sum3A_51 : vector<1000xf32> to vector<1000x1xf32>
    %log3A = math.log %broadcast_in_dim3A_52 : vector<1000x1xf32>
    %sub3A_53 = vector.broadcast %log3A : vector<1000x1xf32> to vector<1000x16xf32>
    %sub3A_54 = arith.subf %sub3A_50, %sub3A_53 : vector<1000x16xf32>
    %swap3A_55 = arith.constant 0 : index
    %swap3A_56 = arith.constant 0 : index
    %swap3A_57 = vector.load %arg12[%swap3A_55, %swap3A_56] : memref<1000x16xf32, #tpu.memory_space<vmem>>, vector<1000x16xf32>
    tpu.vector_store %arg12[%swap3A_55, %swap3A_56], %sub3A_54 {strides = array<i32>} : memref<1000x16xf32, #tpu.memory_space<vmem>>, vector<1000x16xf32>,
    return
  }
  func.func @transform_0(%arg0: i32) -> (i32, i32) {
    %c0_i32 = arith.constant 0 : i32
    %c0_i32_0 = arith.constant 0 : i32
    return %arg0, %c0_i32 : i32, i32
  }
  func.func @transform_1(%arg0: i32) -> (i32, i32) {
    %c0_i32 = arith.constant 0 : i32
    %c0_i32_0 = arith.constant 0 : i32
    return %arg0, %c0_i32 : i32, i32
  }
  func.func @transform_2(%arg0: i32) -> (i32, i32) {
    %c0_i32 = arith.constant 0 : i32
    %c0_i32_0 = arith.constant 0 : i32
    return %arg0, %c0_i32 : i32, i32
  }
  func.func @transform_3(%arg0: i32) -> (i32, i32) {
    %c0_i32 = arith.constant 0 : i32
    %c0_i32_0 = arith.constant 0 : i32
    return %arg0, %c0_i32 : i32, i32
  }
  func.func @transform_4(%arg0: i32) -> (i32, i32) {
    %c0_i32 = arith.constant 0 : i32
    %c0_i32_0 = arith.constant 0 : i32
    return %arg0, %c0_i32 : i32, i32
  }
  func.func @transform_5(%arg0: i32) -> (i32, i32) {
    %c0_i32 = arith.constant 0 : i32
    %c0_i32_0 = arith.constant 0 : i32
    %c0_i32_1 = arith.constant 0 : i32
    return %c0_i32, %c0_i32_0 : i32, i32
  }
  func.func @transform_6(%arg0: i32) -> (i32, i32) {
    %c0_i32 = arith.constant 0 : i32
    %c0_i32_0 = arith.constant 0 : i32
    %c0_i32_1 = arith.constant 0 : i32
    return %c0_i32, %c0_i32_0 : i32, i32
  }
  func.func @transform_7(%arg0: i32) -> (i32, i32) {
    %c0_i32 = arith.constant 0 : i32
    %c0_i32_0 = arith.constant 0 : i32
    %c0_i32_1 = arith.constant 0 : i32
    return %c0_i32, %c0_i32_0 : i32, i32
  }
  func.func @transform_8(%arg0: i32) -> (i32, i32) {
    %c0_i32 = arith.constant 0 : i32
    %c0_i32_0 = arith.constant 0 : i32
    %c0_i32_1 = arith.constant 0 : i32
    return %c0_i32, %c0_i32_0 : i32, i32
  }
  func.func @transform_9(%arg0: i32) -> (i32, i32) {
    %c0_i32 = arith.constant 0 : i32
    %c0_i32_0 = arith.constant 0 : i32
    %c0_i32_1 = arith.constant 0 : i32
    return %c0_i32, %c0_i32_0 : i32, i32
  }
  func.func @transform_10(%arg0: i32) -> (i32, i32) {
    %c0_i32 = arith.constant 0 : i32
    %c0_i32_0 = arith.constant 0 : i32
    return %arg0, %c0_i32 : i32, i32
  }
  func.func @transform_11(%arg0: i32) -> (i32, i32) {
    %c0_i32 = arith.constant 0 : i32
    %c0_i32_0 = arith.constant 0 : i32
    return %arg0, %c0_i32 : i32, i32
  }
}

</mosaic_0001>

<sc_bundles>
// kernel: kernel.12.cloned.1.call-start
scs
__scs_entry_jumppad:
0x0: {  	(pc) =	sbr.rel $0x88, $3  }
0x1: {  	(tag) =	ssettag $0x0;
	lr =	simm.s32 $0x1  }
0x2: {  	[smem:$0x3F94] =	sst lr;
	_ =	strace $0xD0000000  }
0x3: {  	_ = 	snop  }
0x4: {  	_ = 	snop  }
0x5: {  	_ = 	snop  }
0x6: {  	_ = 	snop  }
0x7: {  	_ = 	snop  }
__scs_overlays_trampoline_lowered:
0x8: {  	[smem:$0x3FA3] =	sst s0  }
0x9: {  	[smem:$0x3FA4] =	sst s1  }
0xa: {  	[smem:$0x3FA5] =	sst s2  }
0xb: {  	[smem:$0x3FA6] =	sst s3  }
0xc: {  	[smem:$0x3FA7] =	sst s4  }
0xd: {  	[smem:$0x3FA8] =	sst s5  }
0xe: {  	[smem:$0x3FA9] =	sst s6  }
0xf: {  	[smem:$0x3FAA] =	sst s7  }
0x10: {  	[smem:$0x3FAB] =	sst s8  }
0x11: {  	[smem:$0x3FAC] =	sst s9;
	s0 =	simm.s32 @!p0 $0x0  }
0x12: {  	s1 =	sld [smem:$0x3F92];
	s0 =	simm.s32 @p0 $0x1  }
0x13: {  	[smem:$0x3FAD] =	sst s0;
	s0 =	simm.s32 @!p1 $0x0  }
0x14: {  	s2 =	sld [smem:$0x3F91];
	s0 =	simm.s32 @p1 $0x1  }
0x15: {  	[smem:$0x3FAE] =	sst s0;
	s0 =	simm.s32 @!p2 $0x0  }
0x16: {  	s3 =	sld [smem:$0x3FDB];
	s0 =	simm.s32 @p2 $0x1  }
0x17: {  	s4 =	simm.s32 $0x1BF5;
	[smem:$0x3FB0] =	sst s0  }
0x18: {  	s0 =	sld [smem:$0x3F93];
	_ =	swait.ge [sflag:s4], $0x0  }
0x19: {  	s7 =	sld [smem:$0x3F94]  }
0x1a: {  	s8 =	sadd.s32 $0xFFFFE003, lr  }
0x1b: {  	s9 =	sadd.s32 $0xFFFFFEF7, lr;
	s5 =	simm.s32 $0xFFFFFFFF;
	p2 =	slt.u32 s8, $0xFFFFF086  }
0x1c: {  	p1 =	slt.u32 s9, $0xF7A;
	s5 =	simm.s32 @!p2 $0x0  }
0x1d: {  	s5 =	simm.s32 @p1 $0x1;
	p0 =	seq.s32 s7, s2  }
0x1e: {  	s7 =	smul.u32 @!p0 $0xF7A, s2;
	p2 =	seq.s32 @!p0 s5, $0x0  }
0x1f: {  	s9 =	smul.u32 $0xF7A, s1;
	s8 =	simm.s32 @!p0 $0x1BF5;
	p2 =	por !p2, p0  }
0x20: {  	[sflag:s8] =	ssyncset.s32 @!p0 $0xFFFFF086;
	s6 =	sadd.s32 @!p0 s3, s7;
	s7 =	simm.s32 @!p0 $0x108  }
0x21: {  	s3 =	sadd.s32 s3, s9;
	s6 =	sadd.s32 @!p0 $0x88, s6;
	s7 =	simm.s32 @p2 $0x1082  }
0x22: {  	[simem:s7], [sflag:s8] =	dma.local @!p0 [hbm:s6], $0xF7A  }
0x23: {  	s9 =	sor.u32 $0xD0000000, s2;
	s6 =	simm.s32 $0x108;
	_ =	swait.ge @!p0 [sflag:s8], $0x0  }
0x24: {  	s3 =	sadd.s32 $0x88, s3;
	s6 =	simm.s32 @!p1 $0x1082;
	[sflag:s4] =	ssyncset.s32 $0xFFFFF086  }
0x25: {  	[simem:s6], [sflag:s4] =	dma.local [hbm:s3], $0xF7A  }
0x26: {  	[smem:$0x3F94] =	sst s1;
	(tag) =	ssettag s2;
	_ =	strace s9  }
0x27: {  	s1 =	sld [smem:$0x3FA4]  }
0x28: {  	s2 =	sld [smem:$0x3FA5]  }
0x29: {  	s4 =	sld [smem:$0x3FA7]  }
0x2a: {  	p0 =	seq.s32 s5, $0x0;
	s5 =	sld [smem:$0x3FA8]  }
0x2b: {  	s6 =	sld [smem:$0x3FA9]  }
0x2c: {  	s7 =	sld [smem:$0x3FAA]  }
0x2d: {  	s3 =	simm.s32 $0x108;
	s8 =	sld [smem:$0x3FAB]  }
0x2e: {  	s3 =	simm.s32 @!p0 $0x1082;
	s9 =	sld [smem:$0x3FAC]  }
0x2f: {  	lr =	sadd.s32 s0, s3;
	s0 =	sld [smem:$0x3FA3]  }
0x30: {  	s3 =	sld [smem:$0x3FA6]  }
0x31: {  	[smem:$0x3FAF] =	sst s10  }
0x32: {  	s10 =	sld [smem:$0x3FAD];
	_ =	sdelay $0x3  }
0x33: {  	p0 =	seq.s32 s10, $0x1;
	s10 =	sld [smem:$0x3FAF];
	_ =	sdelay $0x3  }
0x34: {  	[smem:$0x3FAF] =	sst s10  }
0x35: {  	s10 =	sld [smem:$0x3FAE];
	_ =	sdelay $0x3  }
0x36: {  	p1 =	seq.s32 s10, $0x1;
	s10 =	sld [smem:$0x3FAF];
	_ =	sdelay $0x3  }
0x37: {  	[smem:$0x3FAF] =	sst s10  }
0x38: {  	s10 =	sld [smem:$0x3FB0]  }
0x39: {  	_ = 	snop;
	(pc) =	sbr.ind lr, $3  }
0x3a: {  	_ = 	snop  }
0x3b: {  	_ = 	snop  }
0x3c: {  	p2 =	seq.s32 s10, $0x1;
	s10 =	sld [smem:$0x3FAF]  }
0x3d: {  	_ =	shalt  }
0x3e: {  	_ =	shalt  }
0x3f: {  	_ =	shalt  }
0x40: {  	_ =	shalt  }
0x41: {  	_ =	shalt  }
0x42: {  	_ =	shalt  }
0x43: {  	_ =	shalt  }
0x44: {  	_ =	shalt  }
0x45: {  	_ =	shalt  }
0x46: {  	_ =	shalt  }
0x47: {  	_ =	shalt  }
0x48: {  	_ =	shalt  }
0x49: {  	_ =	shalt  }
0x4a: {  	_ =	shalt  }
0x4b: {  	_ =	shalt  }
0x4c: {  	_ =	shalt  }
0x4d: {  	_ =	shalt  }
0x4e: {  	_ =	shalt  }
0x4f: {  	_ =	shalt  }
0x50: {  	_ =	shalt  }
0x51: {  	_ =	shalt  }
0x52: {  	_ =	shalt  }
0x53: {  	_ =	shalt  }
0x54: {  	_ =	shalt  }
0x55: {  	_ =	shalt  }
0x56: {  	_ =	shalt  }
0x57: {  	_ =	shalt  }
0x58: {  	_ =	shalt  }
0x59: {  	_ =	shalt  }
0x5a: {  	_ =	shalt  }
0x5b: {  	_ =	shalt  }
0x5c: {  	_ =	shalt  }
0x5d: {  	_ =	shalt  }
0x5e: {  	_ =	shalt  }
0x5f: {  	_ =	shalt  }
0x60: {  	_ =	shalt  }
0x61: {  	_ =	shalt  }
0x62: {  	_ =	shalt  }
0x63: {  	_ =	shalt  }
0x64: {  	_ =	shalt  }
0x65: {  	_ =	shalt  }
0x66: {  	_ =	shalt  }
0x67: {  	_ =	shalt  }
0x68: {  	_ =	shalt  }
0x69: {  	_ =	shalt  }
0x6a: {  	_ =	shalt  }
0x6b: {  	_ =	shalt  }
0x6c: {  	_ =	shalt  }
0x6d: {  	_ =	shalt  }
0x6e: {  	_ =	shalt  }
0x6f: {  	_ =	shalt  }
0x70: {  	_ =	shalt  }
0x71: {  	_ =	shalt  }
0x72: {  	_ =	shalt  }
0x73: {  	_ =	shalt  }
0x74: {  	_ =	shalt  }
0x75: {  	_ =	shalt  }
0x76: {  	_ =	shalt  }
0x77: {  	_ =	shalt  }
0x78: {  	_ =	shalt  }
0x79: {  	_ =	shalt  }
0x7a: {  	_ =	shalt  }
0x7b: {  	_ =	shalt  }
0x7c: {  	_ =	shalt  }
0x7d: {  	_ =	shalt  }
0x7e: {  	_ =	shalt  }
0x7f: {  	_ =	shalt  }
0x80: {  	_ =	shalt  }
0x81: {  	_ =	shalt  }
0x82: {  	_ =	shalt  }
0x83: {  	_ =	shalt  }
0x84: {  	_ =	shalt  }
0x85: {  	_ =	shalt  }
0x86: {  	_ =	shalt  }
0x87: {  	_ =	shalt  }
.Lfunc_end0:
.L_simem_size_0:
called_computation.1_lowered:
.L_overlay_start_0:
0x88: {  	s2 =	sld [smem:$0x3FD9]  }
0x89: {  	s3 =	sld [smem:$0x3FFE];
	_ =	sdelay $0x1  }
0x8a: {  	s1 =	srdreg.scid  }
0x8b: {  	s0 =	sand.u32 $0x1, s1  }
0x8c: {  	s17 =	sshll.u32 s0, $0xA;
	s2 =	sadd.s32 s3, s2  }
0x8d: {  	s2 =	sadd.s32 s2, s17  }
0x8e: {  	[smem:$0x3FBB] =	sst s2  }
0x8f: {  	_ = 	snop  }
0x90: {  	s2 =	sld [smem:$0x3FC9];
	(tm) =	ssettm $0x1  }
0x91: {  	s18 =	sld [smem:$0x3FFB];
	_ =	sdelay $0x3  }
0x92: {  	_ =	strace s18  }
0x93: {  	s3 =	sld [smem:$0x3FFC];
	_ =	sdelay $0x3  }
0x94: {  	_ =	strace s3  }
0x95: {  	s3 =	sld [smem:$0x3FFD];
	_ =	sdelay $0x3  }
0x96: {  	_ =	strace s3  }
0x97: {  	_ =	strace $0x8FFFFFFF  }
0x98: {  	s19 =	sld [smem:$0x3FDB];
	_ =	sdelay $0x1  }
0x99: {  	s4 =	simm.s32 $_scs_section_size  }
0x9a: {  	s5 =	simm.s32 $_size__tile_overlayer_lowered;
	s6 =	simm.s32 $_tile_overlayer_lowered  }
0x9b: {  	s22 =	simm.s32 $0x1BFF;
	s21 =	sshll.u32 s6, $0x1;
	s3 =	sadd.s32 s4, s19  }
0x9c: {  	s7 =	simm.s32 $0x0;
	s20 =	sshll.u32 s5, $0x1;
	s5 =	sadd.s32 s21, s3  }
0x9d: {  	[timem:s7], [sflag:s22] =	dma.local [hbm:s5], s20  }
0x9e: {  	_ =	swait.ge [sflag:s22], s20  }
0x9f: {  	s4 =	ssub.s32 $0x0, s20;
	[sflag:s22] =	ssyncset.done $0x0  }
0xa0: {  	[sflag:s22] =	ssyncadd.s32 s4;
	_ =	sdelay $0x1  }
0xa1: {  	s23 =	simm.s32 $0x1B8B  }
0xa2: {  	_ =	swait.ge [sflag:s23], $0x1  }
0xa3: {  	[sflag:s23] =	ssyncset.done $0x0  }
0xa4: {  	s25 =	simm.s32 $0x1B8E;
	s24 =	sld [smem:$0x3FFE];
	[sflag:s23] =	ssyncadd.s32 $0xFFFFFFFF  }
0xa5: {  	s26 =	simm.s32 $execute0_lowered;
	[smem:$0x3FD2] =	sst s25  }
0xa6: {  	s5 =	sshll.u32 s26, $0x1;
	_ =	strace $0x80000046;
	[dreg:$0x1] =	wrdreg $0xFFFFFFFF  }
0xa7: {  	s28 =	simm.s32 $_size_execute0_lowered;
	s3 =	sadd.s32 s3, s5;
	[dreg:$0x0] =	wrdreg $0x0  }
0xa8: {  	s5 =	sshll.u32 s28, $0x1;
	[dreg:$0x2] =	wrdreg s3  }
0xa9: {  	[dreg:$0x3] =	wrdreg s5  }
0xaa: {  	[dreg:$0x4] =	wrdreg $0xC0  }
0xab: {  	_ =	task [dreg:s7], $0x5FFFF  }
0xac: {  	[dreg:$0x1] =	wrdreg $0xFFFFFFFF  }
0xad: {  	[dreg:$0x0] =	wrdreg $0x60  }
0xae: {  	[dreg:$0x2] =	wrdreg s2  }
0xaf: {  	[dreg:$0x3] =	wrdreg s24  }
0xb0: {  	[dreg:$0x4] =	wrdreg $0x90000  }
0xb1: {  	[dreg:$0x5] =	wrdreg $0xA  }
0xb2: {  	_ =	task.clear_ibuf [dreg:s7], $0x6FFFF;
	_ =	strace $0x90000046  }
0xb3: {  	s29 =	simm.s32 $0xA;
	_ =	strace $0x80000048  }
0xb4: {  	_ =	swait.ge [sflag:s29], $0x1  }
0xb5: {  	[sflag:s29] =	ssyncadd.s32 $0xFFFFFFFF  }
0xb6: {  	_ =	strace $0x90000048  }
0xb7: {  	_ =	sfence  }
0xb8: {  	s30 =	sld [smem:$0x0];
	_ =	sdelay $0x2  }
0xb9: {  	s31 =	sshll.u32 s1, $0xD;
	s1 =	sshrl.u32 s1, $0x2  }
0xba: {  	s3 =	sand.u32 $0x4000, s31;
	s1 =	sadd.s32 s1, s30  }
0xbb: {  	s0 =	sor.u32 s3, s0;
	s1 =	sshll.u32 s1, $0x11  }
0xbc: {  	s0 =	sor.u32 s1, s0  }
0xbd: {  	s0 =	sadd.s32 $0x8F2B, s0  }
0xbe: {  	[sflag:s0] =	ssyncadd.remote.s32 $0x1  }
0xbf: {  	_ =	sfence.sel $0xFFFF  }
0xc0: {  	[dreg:$0x0] =	wrdreg $0xFFFFFFFF;
	(pc) =	sbr.abs _section_cstart, $3  }
0xc1: {  	[dreg:$0x1] =	wrdreg $0xFFFFFFFF  }
0xc2: {  	_ =	task.clear_ibuf [dreg:s7], $0x2FFFF;
	_ =	strace $0x9FFFFFFF  }
0xc3: {  	(tm) =	ssettm $0x7FFFFFFF  }
tec
execute0_lowered:
.L_overlay_start_1:
0x0: {  	(tag) =	ssettag $0x1  }
0x1: {  	s2 =	rddreg [dreg:$0x0]  }
0x2: {  	s1 =	srdreg.scid;
	s6 =	rddreg [dreg:$0x1]  }
0x3: {  	s0 =	stileid.u32;
	s3 =	rddreg [dreg:$0x2];
	s4 =	simm.s32 $0x0  }
0x4: {  	s14 =	simm.s32 $0x5000;
	s15 =	simm.s32 $0x1;
	s16 =	simm.s32 $0x2800  }
0x5: {  	s17 =	simm.s32 $0x80;
	s5 =	sand.u32 $0x1, s1;
	s8 =	smul.u32 $0x2800, s0  }
0x6: {  	s28 =	sshll.u32 s0, $0x1;
	[smem:$0x7FF] =	sst s4;
	s10 =	smul.u32 $0x50000, s0  }
0x7: {  	s18 =	sshll.u32 s0, $0x6;
	s1 =	sor.u32 s5, s28;
	s9 =	smul.u32 $0x28000, s5  }
0x8: {  	s5 =	ssub.s32 $0x2, s5;
	s18 =	sor.u32 $0x1C01, s18;
	s7 =	smul.u32 $0x500, s1  }
0x9: {  	s1 =	rddreg [dreg:$0x3];
	_ =	strace $0x80000047;
	s30 =	sshrl.u32 s5, $0x1  }
0xa: {  	s31 =	sshrl.u32 s10, $0x2;
	s29 =	sadd.s32 s8, s9;
	s13 =	ssub.s32 s5, s30  }
0xb: {  	s5 =	sadd.s32 s31, s3;
	s11 =	sadd.s32 s7, s6;
	s12 =	sadd.s32 s29, s6  }
0xc: {  	s6 =	sadd.s32 $0x4000, s5;
	s7 =	sadd.s32 $0x8000, s5;
	s8 =	sadd.s32 $0xC000, s5  }
0xd: {  	s9 =	sadd.s32 $0x10000, s5;
	s13 =	smax.u32 s13, $0x1;
	s19 =	sshrl.u32 s5, $0x3  }
0xe: {  	v0 =	vimm.f32 $0.0e+00;
	s10 =	sadd.s32 $0xCA00, s11;
	s11 =	sadd.s32 $0x2A00, s11;
	s12 =	sadd.s32 $0x16A00, s12  }
.LBB2_1:
0xf: {  	s20 =	simm.s32 $0x0;
	s21 =	simm.s32 $0x200  }
.LBB2_2:
0x10: {  	p0 =	sne.s32 s21, $0xFE00;
	[tilespmem:s20+$0x5070] =	vst v0  }
0x11: {  	[tilespmem:s20+$0x5000] =	vst v0  }
0x12: {  	[tilespmem:s20+$0x5010] =	vst v0  }
.Ltmp0:
0x13: {  	[tilespmem:s20+$0x5020] =	vst v0;
	(pc) =	sbr.rel @p0 .LBB2_2-.Ltmp0, $4  }
0x14: {  	[tilespmem:s20+$0x5030] =	vst v0  }
0x15: {  	[tilespmem:s20+$0x5040] =	vst v0  }
0x16: {  	[tilespmem:s20+$0x5050] =	vst v0  }
0x17: {  	[tilespmem:s20+$0x5060] =	vst v0;
	s20 =	sshra.s32 s21, $0x2;
	s21 =	sadd.s32 $0x200, s21  }
0x18: {  	[tilespmem:s20+$0x5070] =	vst v0  }
0x19: {  	[tilespmem:s20+$0x5000] =	vst v0  }
0x1a: {  	[tilespmem:s20+$0x5010] =	vst v0  }
0x1b: {  	[tilespmem:s20+$0x5020] =	vst v0  }
0x1c: {  	[tilespmem:s20+$0x5030] =	vst v0  }
0x1d: {  	[tilespmem:s20+$0x5040] =	vst v0  }
0x1e: {  	[tilespmem:s20+$0x5050] =	vst v0  }
0x1f: {  	[tilespmem:s20+$0x5060] =	vst v0  }
0x20: {  	[spmem:s5] =	stream.linear.scatter [tilespmem:s14], [sflag:$0x1], $0x4000, $0x38;
	[tilespmem:$0x1D000] =	vst v63  }
0x21: {  	_ =	swait.ge [sflag:s15], $0x4000  }
0x22: {  	[sflag:s15] =	ssyncset.done $0x0  }
0x23: {  	[sflag:s15] =	ssyncadd.s32 $0xFFFFC000  }
0x24: {  	[spmem:s6] =	stream.linear.scatter [tilespmem:s14], [sflag:$0x1], $0x4000, $0x38;
	[tilespmem:$0x1D000] =	vst v63  }
0x25: {  	_ =	swait.ge [sflag:s15], $0x4000  }
0x26: {  	[sflag:s15] =	ssyncset.done $0x0  }
0x27: {  	[sflag:s15] =	ssyncadd.s32 $0xFFFFC000  }
0x28: {  	[spmem:s7] =	stream.linear.scatter [tilespmem:s14], [sflag:$0x1], $0x4000, $0x38;
	[tilespmem:$0x1D000] =	vst v63  }
0x29: {  	_ =	swait.ge [sflag:s15], $0x4000  }
0x2a: {  	[sflag:s15] =	ssyncset.done $0x0  }
0x2b: {  	[sflag:s15] =	ssyncadd.s32 $0xFFFFC000  }
0x2c: {  	[spmem:s8] =	stream.linear.scatter [tilespmem:s14], [sflag:$0x1], $0x4000, $0x38;
	[tilespmem:$0x1D000] =	vst v63  }
0x2d: {  	_ =	swait.ge [sflag:s15], $0x4000  }
0x2e: {  	[sflag:s15] =	ssyncset.done $0x0  }
0x2f: {  	[sflag:s15] =	ssyncadd.s32 $0xFFFFC000  }
0x30: {  	[spmem:s9] =	stream.linear.scatter [tilespmem:s14], [sflag:$0x1], $0x4000, $0x38;
	[tilespmem:$0x1D000] =	vst v63  }
0x31: {  	_ =	swait.ge [sflag:s15], $0x4000  }
0x32: {  	[sflag:s15] =	ssyncset.done $0x0  }
0x33: {  	[sflag:s15] =	ssyncadd.s32 $0xFFFFC000  }
0x34: {  	s29 =	simm.s32 $0x0;
	[bflag:$0x0] =	sbarrier.arrive $0xFFFF  }
0x35: {  	[tilespmem:s29], [sflag:$0x1] =	stream.linear.gather [hbm4b:s10+s29], $0x2780, $0x38;
	[tilespmem:$0x1D000] =	vst v63  }
0x36: {  	_ =	swait.ge [sflag:s15], $0x2780  }
0x37: {  	[sflag:s15] =	ssyncset.done $0x0  }
0x38: {  	[sflag:s15] =	ssyncadd.s32 $0xFFFFD880  }
0x39: {  	[tilespmem:s16], [sflag:$0x1] =	stream.linear.gather [hbm4b:s11+s29], $0x2780, $0x38;
	[tilespmem:$0x1D000] =	vst v63  }
0x3a: {  	_ =	swait.ge [sflag:s15], $0x2780  }
0x3b: {  	[sflag:s15] =	ssyncset.done $0x0  }
0x3c: {  	s30 =	simm.s32 $0x0;
	[sflag:s15] =	ssyncadd.s32 $0xFFFFD880  }
0x3d: {  	[tilespmem:s14], [sflag:$0x1] =	stream.indirect.gather [hbm4b:s2+s17], $0x80, s30, s17, $0xb8;
	[tilespmem:$0x1D000] =	vst v63  }
0x3e: {  	_ =	swait.ge [sflag:s15], $0x4000  }
0x3f: {  	[sflag:s15] =	ssyncset.done $0x0  }
0x40: {  	s31 =	simm.s32 $0x2800;
	[sflag:s15] =	ssyncadd.s32 $0xFFFFC000  }
0x41: {  	[spmem:s3] =	stream.indirect.scatter.add.f32 [tilespmem:s14], [sflag:$0x1], $0x80, s31, s17, $0xb8;
	[tilespmem:$0x1D000] =	vst v63  }
0x42: {  	_ =	swait.ge [sflag:s15], $0x4000  }
0x43: {  	s20 =	simm.s32 $0x200;
	s21 =	simm.s32 $0x400;
	[sflag:s15] =	ssyncset.done $0x0  }
.LBB2_4:
0x44: {  	s22 =	sshra.s32 s20, $0x2  }
0x45: {  	[sflag:s15] =	ssyncadd.s32 $0xFFFFC000;
	s20 =	smov.u32 s21;
	s23 =	sadd.s32 $0x200, s21  }
0x46: {  	[tilespmem:s14], [sflag:$0x1] =	stream.indirect.gather [hbm4b:s2+s17], $0x80, s22, s17, $0xb8;
	[tilespmem:$0x1D000] =	vst v63  }
0x47: {  	p0 =	sne.s32 s21, $0x9C00;
	_ =	swait.ge [sflag:s15], $0x4000  }
.Ltmp1:
0x48: {  	[sflag:s15] =	ssyncset.done $0x0;
	(pc) =	sbr.rel @p0 .LBB2_4-.Ltmp1, $4  }
0x49: {  	s21 =	sadd.s32 $0x2800, s22;
	[sflag:s15] =	ssyncadd.s32 $0xFFFFC000  }
0x4a: {  	[spmem:s3] =	stream.indirect.scatter.add.f32 [tilespmem:s14], [sflag:$0x1], $0x80, s21, s17, $0xb8;
	[tilespmem:$0x1D000] =	vst v63  }
0x4b: {  	_ =	swait.ge [sflag:s15], $0x4000  }
0x4c: {  	s21 =	smov.u32 s23;
	[sflag:s15] =	ssyncset.done $0x0  }
0x4d: {  	s20 =	sshra.s32 s20, $0x2;
	[sflag:s15] =	ssyncadd.s32 $0xFFFFC000  }
0x4e: {  	[tilespmem:s14], [sflag:$0x1] =	stream.indirect.gather [hbm4b:s2+s17], $0x80, s20, s17, $0xb8;
	[tilespmem:$0x1D000] =	vst v63  }
0x4f: {  	_ =	swait.ge [sflag:s15], $0x4000  }
0x50: {  	[sflag:s15] =	ssyncset.done $0x0  }
0x51: {  	s20 =	sadd.s32 $0x2800, s20;
	[sflag:s15] =	ssyncadd.s32 $0xFFFFC000  }
0x52: {  	[spmem:s3] =	stream.indirect.scatter.add.f32 [tilespmem:s14], [sflag:$0x1], $0x80, s20, s17, $0xb8;
	[tilespmem:$0x1D000] =	vst v63  }
0x53: {  	_ =	swait.ge [sflag:s15], $0x4000  }
0x54: {  	s4 =	sadd.s32 $0x1, s4;
	[sflag:s15] =	ssyncset.done $0x0  }
0x55: {  	p0 =	sne.s32 s4, s13;
	[sflag:s15] =	ssyncadd.s32 $0xFFFFC000  }
.Ltmp2:
0x56: {  	[bflag:$0x0] =	sbarrier.arrive $0xFFFF;
	(pc) =	sbr.rel @p0 .LBB2_1-.Ltmp2, $4  }
0x57: {  	[hbm:s12], [sflag:s18] =	dma.local [spmem:s19], $0x2800  }
0x58: {  	_ =	swait.ge [sflag:s15], $0x2800  }
0x59: {  	[sflag:s15] =	ssyncset.done $0x0  }
0x5a: {  	[sflag:s15] =	ssyncadd.s32 $0xFFFFD800  }
0x5b: {  	_ =	sfence.sel $0x180000  }
0x5c: {  	[bflag:$0x0] =	sbarrier.arrive $0xFFFF  }
0x5d: {  	p0 =	sne.s32 s0, $0x0;
	_ =	strace $0x90000047  }
0x5e: {  	s0 =	sadd.s32 @!p0 $0x100000, s1;
	[bflag:$0x2] =	sbarrier.arrive $0xFFFF  }
0x5f: {  	[sflag:s0] =	ssyncadd.tile.s32 @!p0 $0x1;
	_ =	shalt  }
.Lfunc_end2:
_tile_overlayer_lowered:
.L_overlay_start_2:
0x60: {  	(tag) =	ssettag $0x2  }
0x61: {  	s0 =	rddreg [dreg:$0x0];
	s2 =	stileid.u32  }
0x62: {  	s1 =	rddreg [dreg:$0x1];
	p0 =	sne.s32 s2, $0x0  }
0x63: {  	s3 =	rddreg [dreg:$0x2];
	[bflag:$0x3] =	sbarrier.arrive $0xFFFF;
	s2 =	simm.s32 @!p0 $0x1C01  }
0x64: {  	[timem:s3], [sflag:s2] =	dma.local @!p0 [hbm:s0], s1  }
0x65: {  	s0 =	simm.s32 @!p0 $0x1  }
0x66: {  	_ =	swait.ge @!p0 [sflag:s0], s1  }
0x67: {  	s1 =	ssub.s32 @!p0 $0x0, s1;
	[sflag:s0] =	ssyncset.done @!p0 $0x0  }
0x68: {  	[sflag:s0] =	ssyncadd.s32 @!p0 s1  }
0x69: {  	[bflag:$0x3] =	sbarrier.arrive $0xFFFF  }
0x6a: {  	_ =	shalt  }

// kernel: kernel.15.cloned.1.call-start
scs
__scs_entry_jumppad:
0x0: {  	(pc) =	sbr.rel $0x88, $3  }
0x1: {  	(tag) =	ssettag $0x0;
	lr =	simm.s32 $0x1  }
0x2: {  	[smem:$0x3F94] =	sst lr;
	_ =	strace $0xD0000000  }
0x3: {  	_ = 	snop  }
0x4: {  	_ = 	snop  }
0x5: {  	_ = 	snop  }
0x6: {  	_ = 	snop  }
0x7: {  	_ = 	snop  }
__scs_overlays_trampoline_lowered:
0x8: {  	[smem:$0x3FA3] =	sst s0  }
0x9: {  	[smem:$0x3FA4] =	sst s1  }
0xa: {  	[smem:$0x3FA5] =	sst s2  }
0xb: {  	[smem:$0x3FA6] =	sst s3  }
0xc: {  	[smem:$0x3FA7] =	sst s4  }
0xd: {  	[smem:$0x3FA8] =	sst s5  }
0xe: {  	[smem:$0x3FA9] =	sst s6  }
0xf: {  	[smem:$0x3FAA] =	sst s7  }
0x10: {  	[smem:$0x3FAB] =	sst s8  }
0x11: {  	[smem:$0x3FAC] =	sst s9;
	s0 =	simm.s32 @!p0 $0x0  }
0x12: {  	s1 =	sld [smem:$0x3F92];
	s0 =	simm.s32 @p0 $0x1  }
0x13: {  	[smem:$0x3FAD] =	sst s0;
	s0 =	simm.s32 @!p1 $0x0  }
0x14: {  	s2 =	sld [smem:$0x3F91];
	s0 =	simm.s32 @p1 $0x1  }
0x15: {  	[smem:$0x3FAE] =	sst s0;
	s0 =	simm.s32 @!p2 $0x0  }
0x16: {  	s3 =	sld [smem:$0x3FDB];
	s0 =	simm.s32 @p2 $0x1  }
0x17: {  	s4 =	simm.s32 $0x1BF5;
	[smem:$0x3FB0] =	sst s0  }
0x18: {  	s0 =	sld [smem:$0x3F93];
	_ =	swait.ge [sflag:s4], $0x0  }
0x19: {  	s7 =	sld [smem:$0x3F94]  }
0x1a: {  	s8 =	sadd.s32 $0xFFFFE003, lr  }
0x1b: {  	s9 =	sadd.s32 $0xFFFFFEF7, lr;
	s5 =	simm.s32 $0xFFFFFFFF;
	p2 =	slt.u32 s8, $0xFFFFF086  }
0x1c: {  	p1 =	slt.u32 s9, $0xF7A;
	s5 =	simm.s32 @!p2 $0x0  }
0x1d: {  	s5 =	simm.s32 @p1 $0x1;
	p0 =	seq.s32 s7, s2  }
0x1e: {  	s7 =	smul.u32 @!p0 $0xF7A, s2;
	p2 =	seq.s32 @!p0 s5, $0x0  }
0x1f: {  	s9 =	smul.u32 $0xF7A, s1;
	s8 =	simm.s32 @!p0 $0x1BF5;
	p2 =	por !p2, p0  }
0x20: {  	[sflag:s8] =	ssyncset.s32 @!p0 $0xFFFFF086;
	s6 =	sadd.s32 @!p0 s3, s7;
	s7 =	simm.s32 @!p0 $0x108  }
0x21: {  	s3 =	sadd.s32 s3, s9;
	s6 =	sadd.s32 @!p0 $0x88, s6;
	s7 =	simm.s32 @p2 $0x1082  }
0x22: {  	[simem:s7], [sflag:s8] =	dma.local @!p0 [hbm:s6], $0xF7A  }
0x23: {  	s9 =	sor.u32 $0xD0000000, s2;
	s6 =	simm.s32 $0x108;
	_ =	swait.ge @!p0 [sflag:s8], $0x0  }
0x24: {  	s3 =	sadd.s32 $0x88, s3;
	s6 =	simm.s32 @!p1 $0x1082;
	[sflag:s4] =	ssyncset.s32 $0xFFFFF086  }
0x25: {  	[simem:s6], [sflag:s4] =	dma.local [hbm:s3], $0xF7A  }
0x26: {  	[smem:$0x3F94] =	sst s1;
	(tag) =	ssettag s2;
	_ =	strace s9  }
0x27: {  	s1 =	sld [smem:$0x3FA4]  }
0x28: {  	s2 =	sld [smem:$0x3FA5]  }
0x29: {  	s4 =	sld [smem:$0x3FA7]  }
0x2a: {  	p0 =	seq.s32 s5, $0x0;
	s5 =	sld [smem:$0x3FA8]  }
0x2b: {  	s6 =	sld [smem:$0x3FA9]  }
0x2c: {  	s7 =	sld [smem:$0x3FAA]  }
0x2d: {  	s3 =	simm.s32 $0x108;
	s8 =	sld [smem:$0x3FAB]  }
0x2e: {  	s3 =	simm.s32 @!p0 $0x1082;
	s9 =	sld [smem:$0x3FAC]  }
0x2f: {  	lr =	sadd.s32 s0, s3;
	s0 =	sld [smem:$0x3FA3]  }
0x30: {  	s3 =	sld [smem:$0x3FA6]  }
0x31: {  	[smem:$0x3FAF] =	sst s10  }
0x32: {  	s10 =	sld [smem:$0x3FAD];
	_ =	sdelay $0x3  }
0x33: {  	p0 =	seq.s32 s10, $0x1;
	s10 =	sld [smem:$0x3FAF];
	_ =	sdelay $0x3  }
0x34: {  	[smem:$0x3FAF] =	sst s10  }
0x35: {  	s10 =	sld [smem:$0x3FAE];
	_ =	sdelay $0x3  }
0x36: {  	p1 =	seq.s32 s10, $0x1;
	s10 =	sld [smem:$0x3FAF];
	_ =	sdelay $0x3  }
0x37: {  	[smem:$0x3FAF] =	sst s10  }
0x38: {  	s10 =	sld [smem:$0x3FB0]  }
0x39: {  	_ = 	snop;
	(pc) =	sbr.ind lr, $3  }
0x3a: {  	_ = 	snop  }
0x3b: {  	_ = 	snop  }
0x3c: {  	p2 =	seq.s32 s10, $0x1;
	s10 =	sld [smem:$0x3FAF]  }
0x3d: {  	_ =	shalt  }
0x3e: {  	_ =	shalt  }
0x3f: {  	_ =	shalt  }
0x40: {  	_ =	shalt  }
0x41: {  	_ =	shalt  }
0x42: {  	_ =	shalt  }
0x43: {  	_ =	shalt  }
0x44: {  	_ =	shalt  }
0x45: {  	_ =	shalt  }
0x46: {  	_ =	shalt  }
0x47: {  	_ =	shalt  }
0x48: {  	_ =	shalt  }
0x49: {  	_ =	shalt  }
0x4a: {  	_ =	shalt  }
0x4b: {  	_ =	shalt  }
0x4c: {  	_ =	shalt  }
0x4d: {  	_ =	shalt  }
0x4e: {  	_ =	shalt  }
0x4f: {  	_ =	shalt  }
0x50: {  	_ =	shalt  }
0x51: {  	_ =	shalt  }
0x52: {  	_ =	shalt  }
0x53: {  	_ =	shalt  }
0x54: {  	_ =	shalt  }
0x55: {  	_ =	shalt  }
0x56: {  	_ =	shalt  }
0x57: {  	_ =	shalt  }
0x58: {  	_ =	shalt  }
0x59: {  	_ =	shalt  }
0x5a: {  	_ =	shalt  }
0x5b: {  	_ =	shalt  }
0x5c: {  	_ =	shalt  }
0x5d: {  	_ =	shalt  }
0x5e: {  	_ =	shalt  }
0x5f: {  	_ =	shalt  }
0x60: {  	_ =	shalt  }
0x61: {  	_ =	shalt  }
0x62: {  	_ =	shalt  }
0x63: {  	_ =	shalt  }
0x64: {  	_ =	shalt  }
0x65: {  	_ =	shalt  }
0x66: {  	_ =	shalt  }
0x67: {  	_ =	shalt  }
0x68: {  	_ =	shalt  }
0x69: {  	_ =	shalt  }
0x6a: {  	_ =	shalt  }
0x6b: {  	_ =	shalt  }
0x6c: {  	_ =	shalt  }
0x6d: {  	_ =	shalt  }
0x6e: {  	_ =	shalt  }
0x6f: {  	_ =	shalt  }
0x70: {  	_ =	shalt  }
0x71: {  	_ =	shalt  }
0x72: {  	_ =	shalt  }
0x73: {  	_ =	shalt  }
0x74: {  	_ =	shalt  }
0x75: {  	_ =	shalt  }
0x76: {  	_ =	shalt  }
0x77: {  	_ =	shalt  }
0x78: {  	_ =	shalt  }
0x79: {  	_ =	shalt  }
0x7a: {  	_ =	shalt  }
0x7b: {  	_ =	shalt  }
0x7c: {  	_ =	shalt  }
0x7d: {  	_ =	shalt  }
0x7e: {  	_ =	shalt  }
0x7f: {  	_ =	shalt  }
0x80: {  	_ =	shalt  }
0x81: {  	_ =	shalt  }
0x82: {  	_ =	shalt  }
0x83: {  	_ =	shalt  }
0x84: {  	_ =	shalt  }
0x85: {  	_ =	shalt  }
0x86: {  	_ =	shalt  }
0x87: {  	_ =	shalt  }
.Lfunc_end0:
.L_simem_size_0:
called_computation.2_lowered:
.L_overlay_start_0:
0x88: {  	s2 =	sld [smem:$0x3FD9]  }
0x89: {  	s3 =	sld [smem:$0x3FFE];
	_ =	sdelay $0x1  }
0x8a: {  	s1 =	srdreg.scid  }
0x8b: {  	s0 =	sand.u32 $0x1, s1  }
0x8c: {  	s14 =	sshll.u32 s0, $0xA;
	s2 =	sadd.s32 s3, s2  }
0x8d: {  	s2 =	sadd.s32 s2, s14  }
0x8e: {  	[smem:$0x3FBB] =	sst s2  }
0x8f: {  	_ = 	snop  }
0x90: {  	s2 =	sld [smem:$0x3FD0];
	_ =	sdelay $0x2  }
0x91: {  	s15 =	simm.s32 $0xB;
	s4 =	simm.s32 $0x10  }
0x92: {  	[smem:s4], [sflag:s15] =	dma.local [hbm:s2], $0x1  }
0x93: {  	_ =	swait.eq [sflag:s15], $0x1  }
0x94: {  	[sflag:s15] =	ssyncset.done $0x0  }
0x95: {  	[sflag:s15] =	ssyncadd.s32 $0xFFFFFFFF  }
0x96: {  	s16 =	sld [smem:$0x10];
	(tm) =	ssettm $0x1  }
0x97: {  	s17 =	sld [smem:$0x3FFB];
	_ =	sdelay $0x3  }
0x98: {  	_ =	strace s17  }
0x99: {  	s3 =	sld [smem:$0x3FFC];
	_ =	sdelay $0x3  }
0x9a: {  	_ =	strace s3  }
0x9b: {  	s3 =	sld [smem:$0x3FFD];
	_ =	sdelay $0x3  }
0x9c: {  	_ =	strace s3  }
0x9d: {  	_ =	strace $0x8FFFFFFF  }
0x9e: {  	s18 =	sld [smem:$0x3FDB];
	_ =	sdelay $0x1  }
0x9f: {  	s19 =	simm.s32 $_scs_section_size  }
0xa0: {  	s5 =	simm.s32 $_size__tile_overlayer_lowered;
	s6 =	simm.s32 $_tile_overlayer_lowered  }
0xa1: {  	s22 =	simm.s32 $0x1BFF;
	s21 =	sshll.u32 s6, $0x1;
	s3 =	sadd.s32 s19, s18  }
0xa2: {  	s7 =	simm.s32 $0x0;
	s20 =	sshll.u32 s5, $0x1;
	s5 =	sadd.s32 s21, s3  }
0xa3: {  	[timem:s7], [sflag:s22] =	dma.local [hbm:s5], s20  }
0xa4: {  	_ =	swait.ge [sflag:s22], s20  }
0xa5: {  	s4 =	ssub.s32 $0x0, s20;
	[sflag:s22] =	ssyncset.done $0x0  }
0xa6: {  	[sflag:s22] =	ssyncadd.s32 s4;
	_ =	sdelay $0x1  }
0xa7: {  	s23 =	simm.s32 $0x1B8B  }
0xa8: {  	_ =	swait.ge [sflag:s23], $0x1  }
0xa9: {  	[sflag:s23] =	ssyncset.done $0x0  }
0xaa: {  	s25 =	simm.s32 $0x1B8E;
	s24 =	sld [smem:$0x3FFE];
	[sflag:s23] =	ssyncadd.s32 $0xFFFFFFFF  }
0xab: {  	s26 =	simm.s32 $execute0_lowered;
	[smem:$0x3FD2] =	sst s25  }
0xac: {  	s5 =	sshll.u32 s26, $0x1;
	_ =	strace $0x8000004C;
	[dreg:$0x1] =	wrdreg $0xFFFFFFFF  }
0xad: {  	s28 =	simm.s32 $_size_execute0_lowered;
	s3 =	sadd.s32 s3, s5;
	[dreg:$0x0] =	wrdreg $0x0  }
0xae: {  	s5 =	sshll.u32 s28, $0x1;
	[dreg:$0x2] =	wrdreg s3  }
0xaf: {  	[dreg:$0x3] =	wrdreg s5  }
0xb0: {  	[dreg:$0x4] =	wrdreg $0xC0  }
0xb1: {  	_ =	task [dreg:s7], $0x5FFFF  }
0xb2: {  	[dreg:$0x1] =	wrdreg $0xFFFFFFFF  }
0xb3: {  	[dreg:$0x0] =	wrdreg $0x60  }
0xb4: {  	[dreg:$0x2] =	wrdreg s16  }
0xb5: {  	[dreg:$0x3] =	wrdreg s24  }
0xb6: {  	[dreg:$0x4] =	wrdreg $0x90000  }
0xb7: {  	[dreg:$0x5] =	wrdreg $0x9  }
0xb8: {  	_ =	task.clear_ibuf [dreg:s7], $0x6FFFF;
	_ =	strace $0x9000004C  }
0xb9: {  	s29 =	simm.s32 $0x9;
	_ =	strace $0x8000004E  }
0xba: {  	_ =	swait.ge [sflag:s29], $0x1  }
0xbb: {  	[sflag:s29] =	ssyncadd.s32 $0xFFFFFFFF  }
0xbc: {  	_ =	strace $0x9000004E  }
0xbd: {  	_ =	sfence  }
0xbe: {  	s30 =	sld [smem:$0x0];
	_ =	sdelay $0x2  }
0xbf: {  	s31 =	sshll.u32 s1, $0xD;
	s1 =	sshrl.u32 s1, $0x2  }
0xc0: {  	s3 =	sand.u32 $0x4000, s31;
	s1 =	sadd.s32 s1, s30  }
0xc1: {  	s0 =	sor.u32 s3, s0;
	s1 =	sshll.u32 s1, $0x11  }
0xc2: {  	s0 =	sor.u32 s1, s0  }
0xc3: {  	s0 =	sadd.s32 $0x8F2B, s0  }
0xc4: {  	[sflag:s0] =	ssyncadd.remote.s32 $0x1  }
0xc5: {  	_ =	sfence.sel $0xFFFF  }
0xc6: {  	[dreg:$0x0] =	wrdreg $0xFFFFFFFF;
	(pc) =	sbr.abs _section_cstart, $3  }
0xc7: {  	[dreg:$0x1] =	wrdreg $0xFFFFFFFF  }
0xc8: {  	_ =	task.clear_ibuf [dreg:s7], $0x2FFFF;
	_ =	strace $0x9FFFFFFF  }
0xc9: {  	(tm) =	ssettm $0x7FFFFFFF  }
tec
execute0_lowered:
.L_overlay_start_1:
0x0: {  	(tag) =	ssettag $0x1  }
0x1: {  	s2 =	rddreg [dreg:$0x0]  }
0x2: {  	s1 =	srdreg.scid;
	s6 =	rddreg [dreg:$0x1]  }
0x3: {  	s0 =	stileid.u32;
	s3 =	rddreg [dreg:$0x2];
	s4 =	simm.s32 $0x0  }
0x4: {  	s14 =	simm.s32 $0x5000;
	s15 =	simm.s32 $0x1;
	s16 =	simm.s32 $0x2800  }
0x5: {  	s17 =	simm.s32 $0x80;
	s5 =	sand.u32 $0x1, s1;
	s8 =	smul.u32 $0x2800, s0  }
0x6: {  	s28 =	sshll.u32 s0, $0x1;
	[smem:$0x7FF] =	sst s4;
	s10 =	smul.u32 $0x50000, s0  }
0x7: {  	s18 =	sshll.u32 s0, $0x6;
	s1 =	sor.u32 s5, s28;
	s9 =	smul.u32 $0x28000, s5  }
0x8: {  	s5 =	ssub.s32 $0x2, s5;
	s18 =	sor.u32 $0x1C01, s18;
	s7 =	smul.u32 $0x500, s1  }
0x9: {  	s1 =	rddreg [dreg:$0x3];
	_ =	strace $0x8000004D;
	s30 =	sshrl.u32 s5, $0x1  }
0xa: {  	s31 =	sshrl.u32 s10, $0x2;
	s29 =	sadd.s32 s8, s9;
	s13 =	ssub.s32 s5, s30  }
0xb: {  	s5 =	sadd.s32 s31, s3;
	s11 =	sadd.s32 s7, s6;
	s12 =	sadd.s32 s29, s6  }
0xc: {  	s6 =	sadd.s32 $0x4000, s5;
	s7 =	sadd.s32 $0x8000, s5;
	s8 =	sadd.s32 $0xC000, s5  }
0xd: {  	s9 =	sadd.s32 $0x10000, s5;
	s13 =	smax.u32 s13, $0x1;
	s19 =	sshrl.u32 s5, $0x3  }
0xe: {  	v0 =	vimm.f32 $0.0e+00;
	s10 =	sadd.s32 $0xCA00, s11;
	s11 =	sadd.s32 $0x2A00, s11;
	s12 =	sadd.s32 $0x16A00, s12  }
.LBB2_1:
0xf: {  	s20 =	simm.s32 $0x0;
	s21 =	simm.s32 $0x200  }
.LBB2_2:
0x10: {  	p0 =	sne.s32 s21, $0xFE00;
	[tilespmem:s20+$0x5070] =	vst v0  }
0x11: {  	[tilespmem:s20+$0x5000] =	vst v0  }
0x12: {  	[tilespmem:s20+$0x5010] =	vst v0  }
.Ltmp0:
0x13: {  	[tilespmem:s20+$0x5020] =	vst v0;
	(pc) =	sbr.rel @p0 .LBB2_2-.Ltmp0, $4  }
0x14: {  	[tilespmem:s20+$0x5030] =	vst v0  }
0x15: {  	[tilespmem:s20+$0x5040] =	vst v0  }
0x16: {  	[tilespmem:s20+$0x5050] =	vst v0  }
0x17: {  	[tilespmem:s20+$0x5060] =	vst v0;
	s20 =	sshra.s32 s21, $0x2;
	s21 =	sadd.s32 $0x200, s21  }
0x18: {  	[tilespmem:s20+$0x5070] =	vst v0  }
0x19: {  	[tilespmem:s20+$0x5000] =	vst v0  }
0x1a: {  	[tilespmem:s20+$0x5010] =	vst v0  }
0x1b: {  	[tilespmem:s20+$0x5020] =	vst v0  }
0x1c: {  	[tilespmem:s20+$0x5030] =	vst v0  }
0x1d: {  	[tilespmem:s20+$0x5040] =	vst v0  }
0x1e: {  	[tilespmem:s20+$0x5050] =	vst v0  }
0x1f: {  	[tilespmem:s20+$0x5060] =	vst v0  }
0x20: {  	[spmem:s5] =	stream.linear.scatter [tilespmem:s14], [sflag:$0x1], $0x4000, $0x38;
	[tilespmem:$0x1D000] =	vst v63  }
0x21: {  	_ =	swait.ge [sflag:s15], $0x4000  }
0x22: {  	[sflag:s15] =	ssyncset.done $0x0  }
0x23: {  	[sflag:s15] =	ssyncadd.s32 $0xFFFFC000  }
0x24: {  	[spmem:s6] =	stream.linear.scatter [tilespmem:s14], [sflag:$0x1], $0x4000, $0x38;
	[tilespmem:$0x1D000] =	vst v63  }
0x25: {  	_ =	swait.ge [sflag:s15], $0x4000  }
0x26: {  	[sflag:s15] =	ssyncset.done $0x0  }
0x27: {  	[sflag:s15] =	ssyncadd.s32 $0xFFFFC000  }
0x28: {  	[spmem:s7] =	stream.linear.scatter [tilespmem:s14], [sflag:$0x1], $0x4000, $0x38;
	[tilespmem:$0x1D000] =	vst v63  }
0x29: {  	_ =	swait.ge [sflag:s15], $0x4000  }
0x2a: {  	[sflag:s15] =	ssyncset.done $0x0  }
0x2b: {  	[sflag:s15] =	ssyncadd.s32 $0xFFFFC000  }
0x2c: {  	[spmem:s8] =	stream.linear.scatter [tilespmem:s14], [sflag:$0x1], $0x4000, $0x38;
	[tilespmem:$0x1D000] =	vst v63  }
0x2d: {  	_ =	swait.ge [sflag:s15], $0x4000  }
0x2e: {  	[sflag:s15] =	ssyncset.done $0x0  }
0x2f: {  	[sflag:s15] =	ssyncadd.s32 $0xFFFFC000  }
0x30: {  	[spmem:s9] =	stream.linear.scatter [tilespmem:s14], [sflag:$0x1], $0x4000, $0x38;
	[tilespmem:$0x1D000] =	vst v63  }
0x31: {  	_ =	swait.ge [sflag:s15], $0x4000  }
0x32: {  	[sflag:s15] =	ssyncset.done $0x0  }
0x33: {  	[sflag:s15] =	ssyncadd.s32 $0xFFFFC000  }
0x34: {  	s29 =	simm.s32 $0x0;
	[bflag:$0x0] =	sbarrier.arrive $0xFFFF  }
0x35: {  	[tilespmem:s29], [sflag:$0x1] =	stream.linear.gather [hbm4b:s10+s29], $0x2780, $0x38;
	[tilespmem:$0x1D000] =	vst v63  }
0x36: {  	_ =	swait.ge [sflag:s15], $0x2780  }
0x37: {  	[sflag:s15] =	ssyncset.done $0x0  }
0x38: {  	[sflag:s15] =	ssyncadd.s32 $0xFFFFD880  }
0x39: {  	[tilespmem:s16], [sflag:$0x1] =	stream.linear.gather [hbm4b:s11+s29], $0x2780, $0x38;
	[tilespmem:$0x1D000] =	vst v63  }
0x3a: {  	_ =	swait.ge [sflag:s15], $0x2780  }
0x3b: {  	[sflag:s15] =	ssyncset.done $0x0  }
0x3c: {  	s30 =	simm.s32 $0x0;
	[sflag:s15] =	ssyncadd.s32 $0xFFFFD880  }
0x3d: {  	[tilespmem:s14], [sflag:$0x1] =	stream.indirect.gather [hbm4b:s2+s17], $0x80, s30, s17, $0xb8;
	[tilespmem:$0x1D000] =	vst v63  }
0x3e: {  	_ =	swait.ge [sflag:s15], $0x4000  }
0x3f: {  	[sflag:s15] =	ssyncset.done $0x0  }
0x40: {  	s31 =	simm.s32 $0x2800;
	[sflag:s15] =	ssyncadd.s32 $0xFFFFC000  }
0x41: {  	[spmem:s3] =	stream.indirect.scatter.add.f32 [tilespmem:s14], [sflag:$0x1], $0x80, s31, s17, $0xb8;
	[tilespmem:$0x1D000] =	vst v63  }
0x42: {  	_ =	swait.ge [sflag:s15], $0x4000  }
0x43: {  	s20 =	simm.s32 $0x200;
	s21 =	simm.s32 $0x400;
	[sflag:s15] =	ssyncset.done $0x0  }
.LBB2_4:
0x44: {  	s22 =	sshra.s32 s20, $0x2  }
0x45: {  	[sflag:s15] =	ssyncadd.s32 $0xFFFFC000;
	s20 =	smov.u32 s21;
	s23 =	sadd.s32 $0x200, s21  }
0x46: {  	[tilespmem:s14], [sflag:$0x1] =	stream.indirect.gather [hbm4b:s2+s17], $0x80, s22, s17, $0xb8;
	[tilespmem:$0x1D000] =	vst v63  }
0x47: {  	p0 =	sne.s32 s21, $0x9C00;
	_ =	swait.ge [sflag:s15], $0x4000  }
.Ltmp1:
0x48: {  	[sflag:s15] =	ssyncset.done $0x0;
	(pc) =	sbr.rel @p0 .LBB2_4-.Ltmp1, $4  }
0x49: {  	s21 =	sadd.s32 $0x2800, s22;
	[sflag:s15] =	ssyncadd.s32 $0xFFFFC000  }
0x4a: {  	[spmem:s3] =	stream.indirect.scatter.add.f32 [tilespmem:s14], [sflag:$0x1], $0x80, s21, s17, $0xb8;
	[tilespmem:$0x1D000] =	vst v63  }
0x4b: {  	_ =	swait.ge [sflag:s15], $0x4000  }
0x4c: {  	s21 =	smov.u32 s23;
	[sflag:s15] =	ssyncset.done $0x0  }
0x4d: {  	s20 =	sshra.s32 s20, $0x2;
	[sflag:s15] =	ssyncadd.s32 $0xFFFFC000  }
0x4e: {  	[tilespmem:s14], [sflag:$0x1] =	stream.indirect.gather [hbm4b:s2+s17], $0x80, s20, s17, $0xb8;
	[tilespmem:$0x1D000] =	vst v63  }
0x4f: {  	_ =	swait.ge [sflag:s15], $0x4000  }
0x50: {  	[sflag:s15] =	ssyncset.done $0x0  }
0x51: {  	s20 =	sadd.s32 $0x2800, s20;
	[sflag:s15] =	ssyncadd.s32 $0xFFFFC000  }
0x52: {  	[spmem:s3] =	stream.indirect.scatter.add.f32 [tilespmem:s14], [sflag:$0x1], $0x80, s20, s17, $0xb8;
	[tilespmem:$0x1D000] =	vst v63  }
0x53: {  	_ =	swait.ge [sflag:s15], $0x4000  }
0x54: {  	s4 =	sadd.s32 $0x1, s4;
	[sflag:s15] =	ssyncset.done $0x0  }
0x55: {  	p0 =	sne.s32 s4, s13;
	[sflag:s15] =	ssyncadd.s32 $0xFFFFC000  }
.Ltmp2:
0x56: {  	[bflag:$0x0] =	sbarrier.arrive $0xFFFF;
	(pc) =	sbr.rel @p0 .LBB2_1-.Ltmp2, $4  }
0x57: {  	[hbm:s12], [sflag:s18] =	dma.local [spmem:s19], $0x2800  }
0x58: {  	_ =	swait.ge [sflag:s15], $0x2800  }
0x59: {  	[sflag:s15] =	ssyncset.done $0x0  }
0x5a: {  	[sflag:s15] =	ssyncadd.s32 $0xFFFFD800  }
0x5b: {  	_ =	sfence.sel $0x180000  }
0x5c: {  	[bflag:$0x0] =	sbarrier.arrive $0xFFFF  }
0x5d: {  	p0 =	sne.s32 s0, $0x0;
	_ =	strace $0x9000004D  }
0x5e: {  	s0 =	sadd.s32 @!p0 $0x100000, s1;
	[bflag:$0x2] =	sbarrier.arrive $0xFFFF  }
0x5f: {  	[sflag:s0] =	ssyncadd.tile.s32 @!p0 $0x1;
	_ =	shalt  }
.Lfunc_end2:
_tile_overlayer_lowered:
.L_overlay_start_2:
0x60: {  	(tag) =	ssettag $0x2  }
0x61: {  	s0 =	rddreg [dreg:$0x0];
	s2 =	stileid.u32  }
0x62: {  	s1 =	rddreg [dreg:$0x1];
	p0 =	sne.s32 s2, $0x0  }
0x63: {  	s3 =	rddreg [dreg:$0x2];
	[bflag:$0x3] =	sbarrier.arrive $0xFFFF;
	s2 =	simm.s32 @!p0 $0x1C01  }
0x64: {  	[timem:s3], [sflag:s2] =	dma.local @!p0 [hbm:s0], s1  }
0x65: {  	s0 =	simm.s32 @!p0 $0x1  }
0x66: {  	_ =	swait.ge @!p0 [sflag:s0], s1  }
0x67: {  	s1 =	ssub.s32 @!p0 $0x0, s1;
	[sflag:s0] =	ssyncset.done @!p0 $0x0  }
0x68: {  	[sflag:s0] =	ssyncadd.s32 @!p0 s1  }
0x69: {  	[bflag:$0x3] =	sbarrier.arrive $0xFFFF  }
0x6a: {  	_ =	shalt  }

// kernel: kernel.18.cloned.1.call-start
scs
__scs_entry_jumppad:
0x0: {  	(pc) =	sbr.rel $0x88, $3  }
0x1: {  	(tag) =	ssettag $0x0;
	lr =	simm.s32 $0x1  }
0x2: {  	[smem:$0x3F94] =	sst lr;
	_ =	strace $0xD0000000  }
0x3: {  	_ = 	snop  }
0x4: {  	_ = 	snop  }
0x5: {  	_ = 	snop  }
0x6: {  	_ = 	snop  }
0x7: {  	_ = 	snop  }
__scs_overlays_trampoline_lowered:
0x8: {  	[smem:$0x3FA3] =	sst s0  }
0x9: {  	[smem:$0x3FA4] =	sst s1  }
0xa: {  	[smem:$0x3FA5] =	sst s2  }
0xb: {  	[smem:$0x3FA6] =	sst s3  }
0xc: {  	[smem:$0x3FA7] =	sst s4  }
0xd: {  	[smem:$0x3FA8] =	sst s5  }
0xe: {  	[smem:$0x3FA9] =	sst s6  }
0xf: {  	[smem:$0x3FAA] =	sst s7  }
0x10: {  	[smem:$0x3FAB] =	sst s8  }
0x11: {  	[smem:$0x3FAC] =	sst s9;
	s0 =	simm.s32 @!p0 $0x0  }
0x12: {  	s1 =	sld [smem:$0x3F92];
	s0 =	simm.s32 @p0 $0x1  }
0x13: {  	[smem:$0x3FAD] =	sst s0;
	s0 =	simm.s32 @!p1 $0x0  }
0x14: {  	s2 =	sld [smem:$0x3F91];
	s0 =	simm.s32 @p1 $0x1  }
0x15: {  	[smem:$0x3FAE] =	sst s0;
	s0 =	simm.s32 @!p2 $0x0  }
0x16: {  	s3 =	sld [smem:$0x3FDB];
	s0 =	simm.s32 @p2 $0x1  }
0x17: {  	s4 =	simm.s32 $0x1BF5;
	[smem:$0x3FB0] =	sst s0  }
0x18: {  	s0 =	sld [smem:$0x3F93];
	_ =	swait.ge [sflag:s4], $0x0  }
0x19: {  	s7 =	sld [smem:$0x3F94]  }
0x1a: {  	s8 =	sadd.s32 $0xFFFFE003, lr  }
0x1b: {  	s9 =	sadd.s32 $0xFFFFFEF7, lr;
	s5 =	simm.s32 $0xFFFFFFFF;
	p2 =	slt.u32 s8, $0xFFFFF086  }
0x1c: {  	p1 =	slt.u32 s9, $0xF7A;
	s5 =	simm.s32 @!p2 $0x0  }
0x1d: {  	s5 =	simm.s32 @p1 $0x1;
	p0 =	seq.s32 s7, s2  }
0x1e: {  	s7 =	smul.u32 @!p0 $0xF7A, s2;
	p2 =	seq.s32 @!p0 s5, $0x0  }
0x1f: {  	s9 =	smul.u32 $0xF7A, s1;
	s8 =	simm.s32 @!p0 $0x1BF5;
	p2 =	por !p2, p0  }
0x20: {  	[sflag:s8] =	ssyncset.s32 @!p0 $0xFFFFF086;
	s6 =	sadd.s32 @!p0 s3, s7;
	s7 =	simm.s32 @!p0 $0x108  }
0x21: {  	s3 =	sadd.s32 s3, s9;
	s6 =	sadd.s32 @!p0 $0x88, s6;
	s7 =	simm.s32 @p2 $0x1082  }
0x22: {  	[simem:s7], [sflag:s8] =	dma.local @!p0 [hbm:s6], $0xF7A  }
0x23: {  	s9 =	sor.u32 $0xD0000000, s2;
	s6 =	simm.s32 $0x108;
	_ =	swait.ge @!p0 [sflag:s8], $0x0  }
0x24: {  	s3 =	sadd.s32 $0x88, s3;
	s6 =	simm.s32 @!p1 $0x1082;
	[sflag:s4] =	ssyncset.s32 $0xFFFFF086  }
0x25: {  	[simem:s6], [sflag:s4] =	dma.local [hbm:s3], $0xF7A  }
0x26: {  	[smem:$0x3F94] =	sst s1;
	(tag) =	ssettag s2;
	_ =	strace s9  }
0x27: {  	s1 =	sld [smem:$0x3FA4]  }
0x28: {  	s2 =	sld [smem:$0x3FA5]  }
0x29: {  	s4 =	sld [smem:$0x3FA7]  }
0x2a: {  	p0 =	seq.s32 s5, $0x0;
	s5 =	sld [smem:$0x3FA8]  }
0x2b: {  	s6 =	sld [smem:$0x3FA9]  }
0x2c: {  	s7 =	sld [smem:$0x3FAA]  }
0x2d: {  	s3 =	simm.s32 $0x108;
	s8 =	sld [smem:$0x3FAB]  }
0x2e: {  	s3 =	simm.s32 @!p0 $0x1082;
	s9 =	sld [smem:$0x3FAC]  }
0x2f: {  	lr =	sadd.s32 s0, s3;
	s0 =	sld [smem:$0x3FA3]  }
0x30: {  	s3 =	sld [smem:$0x3FA6]  }
0x31: {  	[smem:$0x3FAF] =	sst s10  }
0x32: {  	s10 =	sld [smem:$0x3FAD];
	_ =	sdelay $0x3  }
0x33: {  	p0 =	seq.s32 s10, $0x1;
	s10 =	sld [smem:$0x3FAF];
	_ =	sdelay $0x3  }
0x34: {  	[smem:$0x3FAF] =	sst s10  }
0x35: {  	s10 =	sld [smem:$0x3FAE];
	_ =	sdelay $0x3  }
0x36: {  	p1 =	seq.s32 s10, $0x1;
	s10 =	sld [smem:$0x3FAF];
	_ =	sdelay $0x3  }
0x37: {  	[smem:$0x3FAF] =	sst s10  }
0x38: {  	s10 =	sld [smem:$0x3FB0]  }
0x39: {  	_ = 	snop;
	(pc) =	sbr.ind lr, $3  }
0x3a: {  	_ = 	snop  }
0x3b: {  	_ = 	snop  }
0x3c: {  	p2 =	seq.s32 s10, $0x1;
	s10 =	sld [smem:$0x3FAF]  }
0x3d: {  	_ =	shalt  }
0x3e: {  	_ =	shalt  }
0x3f: {  	_ =	shalt  }
0x40: {  	_ =	shalt  }
0x41: {  	_ =	shalt  }
0x42: {  	_ =	shalt  }
0x43: {  	_ =	shalt  }
0x44: {  	_ =	shalt  }
0x45: {  	_ =	shalt  }
0x46: {  	_ =	shalt  }
0x47: {  	_ =	shalt  }
0x48: {  	_ =	shalt  }
0x49: {  	_ =	shalt  }
0x4a: {  	_ =	shalt  }
0x4b: {  	_ =	shalt  }
0x4c: {  	_ =	shalt  }
0x4d: {  	_ =	shalt  }
0x4e: {  	_ =	shalt  }
0x4f: {  	_ =	shalt  }
0x50: {  	_ =	shalt  }
0x51: {  	_ =	shalt  }
0x52: {  	_ =	shalt  }
0x53: {  	_ =	shalt  }
0x54: {  	_ =	shalt  }
0x55: {  	_ =	shalt  }
0x56: {  	_ =	shalt  }
0x57: {  	_ =	shalt  }
0x58: {  	_ =	shalt  }
0x59: {  	_ =	shalt  }
0x5a: {  	_ =	shalt  }
0x5b: {  	_ =	shalt  }
0x5c: {  	_ =	shalt  }
0x5d: {  	_ =	shalt  }
0x5e: {  	_ =	shalt  }
0x5f: {  	_ =	shalt  }
0x60: {  	_ =	shalt  }
0x61: {  	_ =	shalt  }
0x62: {  	_ =	shalt  }
0x63: {  	_ =	shalt  }
0x64: {  	_ =	shalt  }
0x65: {  	_ =	shalt  }
0x66: {  	_ =	shalt  }
0x67: {  	_ =	shalt  }
0x68: {  	_ =	shalt  }
0x69: {  	_ =	shalt  }
0x6a: {  	_ =	shalt  }
0x6b: {  	_ =	shalt  }
0x6c: {  	_ =	shalt  }
0x6d: {  	_ =	shalt  }
0x6e: {  	_ =	shalt  }
0x6f: {  	_ =	shalt  }
0x70: {  	_ =	shalt  }
0x71: {  	_ =	shalt  }
0x72: {  	_ =	shalt  }
0x73: {  	_ =	shalt  }
0x74: {  	_ =	shalt  }
0x75: {  	_ =	shalt  }
0x76: {  	_ =	shalt  }
0x77: {  	_ =	shalt  }
0x78: {  	_ =	shalt  }
0x79: {  	_ =	shalt  }
0x7a: {  	_ =	shalt  }
0x7b: {  	_ =	shalt  }
0x7c: {  	_ =	shalt  }
0x7d: {  	_ =	shalt  }
0x7e: {  	_ =	shalt  }
0x7f: {  	_ =	shalt  }
0x80: {  	_ =	shalt  }
0x81: {  	_ =	shalt  }
0x82: {  	_ =	shalt  }
0x83: {  	_ =	shalt  }
0x84: {  	_ =	shalt  }
0x85: {  	_ =	shalt  }
0x86: {  	_ =	shalt  }
0x87: {  	_ =	shalt  }
.Lfunc_end0:
.L_simem_size_0:
called_computation.3_lowered:
.L_overlay_start_0:
0x88: {  	s2 =	sld [smem:$0x3FD9]  }
0x89: {  	s3 =	sld [smem:$0x3FFE];
	_ =	sdelay $0x1  }
0x8a: {  	s1 =	srdreg.scid  }
0x8b: {  	s0 =	sand.u32 $0x1, s1  }
0x8c: {  	s16 =	sshll.u32 s0, $0xA;
	s2 =	sadd.s32 s3, s2  }
0x8d: {  	s2 =	sadd.s32 s2, s16  }
0x8e: {  	[smem:$0x3FBB] =	sst s2  }
0x8f: {  	_ = 	snop  }
0x90: {  	(tm) =	ssettm $0x1  }
0x91: {  	s17 =	sld [smem:$0x3FFB];
	_ =	sdelay $0x3  }
0x92: {  	_ =	strace s17  }
0x93: {  	s2 =	sld [smem:$0x3FFC];
	_ =	sdelay $0x3  }
0x94: {  	_ =	strace s2  }
0x95: {  	s2 =	sld [smem:$0x3FFD];
	_ =	sdelay $0x3  }
0x96: {  	_ =	strace s2  }
0x97: {  	_ =	strace $0x8FFFFFFF  }
0x98: {  	s18 =	sld [smem:$0x3FDB];
	_ =	sdelay $0x1  }
0x99: {  	s19 =	simm.s32 $_scs_section_size  }
0x9a: {  	s4 =	simm.s32 $_size__tile_overlayer_lowered;
	s5 =	simm.s32 $_tile_overlayer_lowered  }
0x9b: {  	s22 =	simm.s32 $0x1BFF;
	s21 =	sshll.u32 s5, $0x1;
	s2 =	sadd.s32 s19, s18  }
0x9c: {  	s6 =	simm.s32 $0x0;
	s20 =	sshll.u32 s4, $0x1;
	s4 =	sadd.s32 s21, s2  }
0x9d: {  	[timem:s6], [sflag:s22] =	dma.local [hbm:s4], s20  }
0x9e: {  	_ =	swait.ge [sflag:s22], s20  }
0x9f: {  	s3 =	ssub.s32 $0x0, s20;
	[sflag:s22] =	ssyncset.done $0x0  }
0xa0: {  	[sflag:s22] =	ssyncadd.s32 s3;
	_ =	sdelay $0x1  }
0xa1: {  	s23 =	simm.s32 $0x1B8B  }
0xa2: {  	_ =	swait.ge [sflag:s23], $0x1  }
0xa3: {  	[sflag:s23] =	ssyncset.done $0x0  }
0xa4: {  	s25 =	simm.s32 $0x1B8E;
	s24 =	sld [smem:$0x3FFE];
	[sflag:s23] =	ssyncadd.s32 $0xFFFFFFFF  }
0xa5: {  	s26 =	simm.s32 $execute0_lowered;
	[smem:$0x3FD2] =	sst s25  }
0xa6: {  	s4 =	sshll.u32 s26, $0x1;
	_ =	strace $0x8000004F;
	[dreg:$0x1] =	wrdreg $0xFFFFFFFF  }
0xa7: {  	s28 =	simm.s32 $_size_execute0_lowered;
	s2 =	sadd.s32 s2, s4;
	[dreg:$0x0] =	wrdreg $0x0  }
0xa8: {  	s4 =	sshll.u32 s28, $0x1;
	[dreg:$0x2] =	wrdreg s2  }
0xa9: {  	[dreg:$0x3] =	wrdreg s4  }
0xaa: {  	[dreg:$0x4] =	wrdreg $0xC0  }
0xab: {  	_ =	task [dreg:s6], $0x5FFFF  }
0xac: {  	[dreg:$0x1] =	wrdreg $0xFFFFFFFF  }
0xad: {  	[dreg:$0x0] =	wrdreg $0x60  }
0xae: {  	[dreg:$0x2] =	wrdreg s24  }
0xaf: {  	[dreg:$0x3] =	wrdreg $0x90000  }
0xb0: {  	[dreg:$0x4] =	wrdreg $0x9  }
0xb1: {  	_ =	task.clear_ibuf [dreg:s6], $0x5FFFF;
	_ =	strace $0x9000004F  }
0xb2: {  	s29 =	simm.s32 $0x9;
	_ =	strace $0x80000051  }
0xb3: {  	_ =	swait.ge [sflag:s29], $0x1  }
0xb4: {  	[sflag:s29] =	ssyncadd.s32 $0xFFFFFFFF  }
0xb5: {  	_ =	strace $0x90000051  }
0xb6: {  	_ =	sfence  }
0xb7: {  	s30 =	sld [smem:$0x0];
	_ =	sdelay $0x2  }
0xb8: {  	s31 =	sshll.u32 s1, $0xD;
	s1 =	sshrl.u32 s1, $0x2  }
0xb9: {  	s3 =	sand.u32 $0x4000, s31;
	s1 =	sadd.s32 s1, s30  }
0xba: {  	s0 =	sor.u32 s3, s0;
	s1 =	sshll.u32 s1, $0x11  }
0xbb: {  	s0 =	sor.u32 s1, s0  }
0xbc: {  	s0 =	sadd.s32 $0x8F2B, s0  }
0xbd: {  	[sflag:s0] =	ssyncadd.remote.s32 $0x1  }
0xbe: {  	_ =	sfence.sel $0xFFFF  }
0xbf: {  	[dreg:$0x0] =	wrdreg $0xFFFFFFFF;
	(pc) =	sbr.abs _section_cstart, $3  }
0xc0: {  	[dreg:$0x1] =	wrdreg $0xFFFFFFFF  }
0xc1: {  	_ =	task.clear_ibuf [dreg:s6], $0x2FFFF;
	_ =	strace $0x9FFFFFFF  }
0xc2: {  	(tm) =	ssettm $0x7FFFFFFF  }
0xc3: {  	_ =	shalt  }
tec
execute0_lowered:
.L_overlay_start_1:
0x0: {  	(tag) =	ssettag $0x1  }
0x1: {  	s1 =	srdreg.scid  }
0x2: {  	s0 =	stileid.u32;
	s6 =	rddreg [dreg:$0x0]  }
0x3: {  	s2 =	rddreg [dreg:$0x1];
	s3 =	simm.s32 $0x0;
	s14 =	simm.s32 $0x5000  }
0x4: {  	s15 =	simm.s32 $0x1;
	s16 =	simm.s32 $0x2800;
	s17 =	simm.s32 $0x80  }
0x5: {  	s5 =	sand.u32 $0x1, s1;
	s28 =	sshll.u32 s0, $0x1;
	s8 =	smul.u32 $0x2800, s0  }
0x6: {  	[smem:$0x7FF] =	sst s3;
	s10 =	smul.u32 $0x50000, s0;
	s4 =	sadd.s32 $0x16A00, s6  }
0x7: {  	s18 =	sshll.u32 s0, $0x6;
	s1 =	sor.u32 s5, s28;
	s9 =	smul.u32 $0x28000, s5  }
0x8: {  	s5 =	ssub.s32 $0x2, s5;
	s18 =	sor.u32 $0x1C01, s18;
	s7 =	smul.u32 $0x500, s1  }
0x9: {  	s1 =	rddreg [dreg:$0x2];
	_ =	strace $0x80000050;
	s30 =	sshrl.u32 s5, $0x1  }
0xa: {  	s31 =	sshrl.u32 s10, $0x2;
	s29 =	sadd.s32 s8, s9;
	s13 =	ssub.s32 s5, s30  }
0xb: {  	s5 =	sadd.s32 s31, s2;
	s11 =	sadd.s32 s7, s6;
	s12 =	sadd.s32 s29, s6  }
0xc: {  	s6 =	sadd.s32 $0x4000, s5;
	s7 =	sadd.s32 $0x8000, s5;
	s8 =	sadd.s32 $0xC000, s5  }
0xd: {  	s9 =	sadd.s32 $0x10000, s5;
	s13 =	smax.u32 s13, $0x1;
	s19 =	sshrl.u32 s5, $0x3  }
0xe: {  	v0 =	vimm.f32 $0.0e+00;
	s10 =	sadd.s32 $0xCA00, s11;
	s11 =	sadd.s32 $0x2A00, s11;
	s12 =	sadd.s32 $0x3DC00, s12  }
.LBB2_1:
0xf: {  	s20 =	simm.s32 $0x0;
	s21 =	simm.s32 $0x200  }
.LBB2_2:
0x10: {  	p0 =	sne.s32 s21, $0xFE00;
	[tilespmem:s20+$0x5070] =	vst v0  }
0x11: {  	[tilespmem:s20+$0x5000] =	vst v0  }
0x12: {  	[tilespmem:s20+$0x5010] =	vst v0  }
.Ltmp0:
0x13: {  	[tilespmem:s20+$0x5020] =	vst v0;
	(pc) =	sbr.rel @p0 .LBB2_2-.Ltmp0, $4  }
0x14: {  	[tilespmem:s20+$0x5030] =	vst v0  }
0x15: {  	[tilespmem:s20+$0x5040] =	vst v0  }
0x16: {  	[tilespmem:s20+$0x5050] =	vst v0  }
0x17: {  	[tilespmem:s20+$0x5060] =	vst v0;
	s20 =	sshra.s32 s21, $0x2;
	s21 =	sadd.s32 $0x200, s21  }
0x18: {  	[tilespmem:s20+$0x5070] =	vst v0  }
0x19: {  	[tilespmem:s20+$0x5000] =	vst v0  }
0x1a: {  	[tilespmem:s20+$0x5010] =	vst v0  }
0x1b: {  	[tilespmem:s20+$0x5020] =	vst v0  }
0x1c: {  	[tilespmem:s20+$0x5030] =	vst v0  }
0x1d: {  	[tilespmem:s20+$0x5040] =	vst v0  }
0x1e: {  	[tilespmem:s20+$0x5050] =	vst v0  }
0x1f: {  	[tilespmem:s20+$0x5060] =	vst v0  }
0x20: {  	[spmem:s5] =	stream.linear.scatter [tilespmem:s14], [sflag:$0x1], $0x4000, $0x38;
	[tilespmem:$0x1D000] =	vst v63  }
0x21: {  	_ =	swait.ge [sflag:s15], $0x4000  }
0x22: {  	[sflag:s15] =	ssyncset.done $0x0  }
0x23: {  	[sflag:s15] =	ssyncadd.s32 $0xFFFFC000  }
0x24: {  	[spmem:s6] =	stream.linear.scatter [tilespmem:s14], [sflag:$0x1], $0x4000, $0x38;
	[tilespmem:$0x1D000] =	vst v63  }
0x25: {  	_ =	swait.ge [sflag:s15], $0x4000  }
0x26: {  	[sflag:s15] =	ssyncset.done $0x0  }
0x27: {  	[sflag:s15] =	ssyncadd.s32 $0xFFFFC000  }
0x28: {  	[spmem:s7] =	stream.linear.scatter [tilespmem:s14], [sflag:$0x1], $0x4000, $0x38;
	[tilespmem:$0x1D000] =	vst v63  }
0x29: {  	_ =	swait.ge [sflag:s15], $0x4000  }
0x2a: {  	[sflag:s15] =	ssyncset.done $0x0  }
0x2b: {  	[sflag:s15] =	ssyncadd.s32 $0xFFFFC000  }
0x2c: {  	[spmem:s8] =	stream.linear.scatter [tilespmem:s14], [sflag:$0x1], $0x4000, $0x38;
	[tilespmem:$0x1D000] =	vst v63  }
0x2d: {  	_ =	swait.ge [sflag:s15], $0x4000  }
0x2e: {  	[sflag:s15] =	ssyncset.done $0x0  }
0x2f: {  	[sflag:s15] =	ssyncadd.s32 $0xFFFFC000  }
0x30: {  	[spmem:s9] =	stream.linear.scatter [tilespmem:s14], [sflag:$0x1], $0x4000, $0x38;
	[tilespmem:$0x1D000] =	vst v63  }
0x31: {  	_ =	swait.ge [sflag:s15], $0x4000  }
0x32: {  	[sflag:s15] =	ssyncset.done $0x0  }
0x33: {  	[sflag:s15] =	ssyncadd.s32 $0xFFFFC000  }
0x34: {  	s29 =	simm.s32 $0x0;
	[bflag:$0x0] =	sbarrier.arrive $0xFFFF  }
0x35: {  	[tilespmem:s29], [sflag:$0x1] =	stream.linear.gather [hbm4b:s10+s29], $0x2780, $0x38;
	[tilespmem:$0x1D000] =	vst v63  }
0x36: {  	_ =	swait.ge [sflag:s15], $0x2780  }
0x37: {  	[sflag:s15] =	ssyncset.done $0x0  }
0x38: {  	[sflag:s15] =	ssyncadd.s32 $0xFFFFD880  }
0x39: {  	[tilespmem:s16], [sflag:$0x1] =	stream.linear.gather [hbm4b:s11+s29], $0x2780, $0x38;
	[tilespmem:$0x1D000] =	vst v63  }
0x3a: {  	_ =	swait.ge [sflag:s15], $0x2780  }
0x3b: {  	[sflag:s15] =	ssyncset.done $0x0  }
0x3c: {  	s30 =	simm.s32 $0x0;
	[sflag:s15] =	ssyncadd.s32 $0xFFFFD880  }
0x3d: {  	[tilespmem:s14], [sflag:$0x1] =	stream.indirect.gather [hbm4b:s4+s17], $0x80, s30, s17, $0xb8;
	[tilespmem:$0x1D000] =	vst v63  }
0x3e: {  	_ =	swait.ge [sflag:s15], $0x4000  }
0x3f: {  	[sflag:s15] =	ssyncset.done $0x0  }
0x40: {  	s31 =	simm.s32 $0x2800;
	[sflag:s15] =	ssyncadd.s32 $0xFFFFC000  }
0x41: {  	[spmem:s2] =	stream.indirect.scatter.add.f32 [tilespmem:s14], [sflag:$0x1], $0x80, s31, s17, $0xb8;
	[tilespmem:$0x1D000] =	vst v63  }
0x42: {  	_ =	swait.ge [sflag:s15], $0x4000  }
0x43: {  	s20 =	simm.s32 $0x200;
	s21 =	simm.s32 $0x400;
	[sflag:s15] =	ssyncset.done $0x0  }
.LBB2_4:
0x44: {  	s22 =	sshra.s32 s20, $0x2  }
0x45: {  	[sflag:s15] =	ssyncadd.s32 $0xFFFFC000;
	s20 =	smov.u32 s21;
	s23 =	sadd.s32 $0x200, s21  }
0x46: {  	[tilespmem:s14], [sflag:$0x1] =	stream.indirect.gather [hbm4b:s4+s17], $0x80, s22, s17, $0xb8;
	[tilespmem:$0x1D000] =	vst v63  }
0x47: {  	p0 =	sne.s32 s21, $0x9C00;
	_ =	swait.ge [sflag:s15], $0x4000  }
.Ltmp1:
0x48: {  	[sflag:s15] =	ssyncset.done $0x0;
	(pc) =	sbr.rel @p0 .LBB2_4-.Ltmp1, $4  }
0x49: {  	s21 =	sadd.s32 $0x2800, s22;
	[sflag:s15] =	ssyncadd.s32 $0xFFFFC000  }
0x4a: {  	[spmem:s2] =	stream.indirect.scatter.add.f32 [tilespmem:s14], [sflag:$0x1], $0x80, s21, s17, $0xb8;
	[tilespmem:$0x1D000] =	vst v63  }
0x4b: {  	_ =	swait.ge [sflag:s15], $0x4000  }
0x4c: {  	s21 =	smov.u32 s23;
	[sflag:s15] =	ssyncset.done $0x0  }
0x4d: {  	s20 =	sshra.s32 s20, $0x2;
	[sflag:s15] =	ssyncadd.s32 $0xFFFFC000  }
0x4e: {  	[tilespmem:s14], [sflag:$0x1] =	stream.indirect.gather [hbm4b:s4+s17], $0x80, s20, s17, $0xb8;
	[tilespmem:$0x1D000] =	vst v63  }
0x4f: {  	_ =	swait.ge [sflag:s15], $0x4000  }
0x50: {  	[sflag:s15] =	ssyncset.done $0x0  }
0x51: {  	s20 =	sadd.s32 $0x2800, s20;
	[sflag:s15] =	ssyncadd.s32 $0xFFFFC000  }
0x52: {  	[spmem:s2] =	stream.indirect.scatter.add.f32 [tilespmem:s14], [sflag:$0x1], $0x80, s20, s17, $0xb8;
	[tilespmem:$0x1D000] =	vst v63  }
0x53: {  	_ =	swait.ge [sflag:s15], $0x4000  }
0x54: {  	s3 =	sadd.s32 $0x1, s3;
	[sflag:s15] =	ssyncset.done $0x0  }
0x55: {  	p0 =	sne.s32 s3, s13;
	[sflag:s15] =	ssyncadd.s32 $0xFFFFC000  }
.Ltmp2:
0x56: {  	[bflag:$0x0] =	sbarrier.arrive $0xFFFF;
	(pc) =	sbr.rel @p0 .LBB2_1-.Ltmp2, $4  }
0x57: {  	[hbm:s12], [sflag:s18] =	dma.local [spmem:s19], $0x2800  }
0x58: {  	_ =	swait.ge [sflag:s15], $0x2800  }
0x59: {  	[sflag:s15] =	ssyncset.done $0x0  }
0x5a: {  	[sflag:s15] =	ssyncadd.s32 $0xFFFFD800  }
0x5b: {  	_ =	sfence.sel $0x180000  }
0x5c: {  	[bflag:$0x0] =	sbarrier.arrive $0xFFFF  }
0x5d: {  	p0 =	sne.s32 s0, $0x0;
	_ =	strace $0x90000050  }
0x5e: {  	s0 =	sadd.s32 @!p0 $0x100000, s1;
	[bflag:$0x2] =	sbarrier.arrive $0xFFFF  }
0x5f: {  	[sflag:s0] =	ssyncadd.tile.s32 @!p0 $0x1;
	_ =	shalt  }
.Lfunc_end2:
_tile_overlayer_lowered:
.L_overlay_start_2:
0x60: {  	(tag) =	ssettag $0x2  }
0x61: {  	s0 =	rddreg [dreg:$0x0];
	s2 =	stileid.u32  }
0x62: {  	s1 =	rddreg [dreg:$0x1];
	p0 =	sne.s32 s2, $0x0  }
0x63: {  	s3 =	rddreg [dreg:$0x2];
	[bflag:$0x3] =	sbarrier.arrive $0xFFFF;
	s2 =	simm.s32 @!p0 $0x1C01  }
0x64: {  	[timem:s3], [sflag:s2] =	dma.local @!p0 [hbm:s0], s1  }
0x65: {  	s0 =	simm.s32 @!p0 $0x1  }
0x66: {  	_ =	swait.ge @!p0 [sflag:s0], s1  }
0x67: {  	s1 =	ssub.s32 @!p0 $0x0, s1;
	[sflag:s0] =	ssyncset.done @!p0 $0x0  }
0x68: {  	[sflag:s0] =	ssyncadd.s32 @!p0 s1  }
0x69: {  	[bflag:$0x3] =	sbarrier.arrive $0xFFFF  }
0x6a: {  	_ =	shalt  }

// kernel: kernel.9.cloned.1.call-start
scs
__scs_entry_jumppad:
0x0: {  	(pc) =	sbr.rel $0x88, $3  }
0x1: {  	(tag) =	ssettag $0x0;
	lr =	simm.s32 $0x1  }
0x2: {  	[smem:$0x3F94] =	sst lr;
	_ =	strace $0xD0000000  }
0x3: {  	_ = 	snop  }
0x4: {  	_ = 	snop  }
0x5: {  	_ = 	snop  }
0x6: {  	_ = 	snop  }
0x7: {  	_ = 	snop  }
__scs_overlays_trampoline_lowered:
0x8: {  	[smem:$0x3FA3] =	sst s0  }
0x9: {  	[smem:$0x3FA4] =	sst s1  }
0xa: {  	[smem:$0x3FA5] =	sst s2  }
0xb: {  	[smem:$0x3FA6] =	sst s3  }
0xc: {  	[smem:$0x3FA7] =	sst s4  }
0xd: {  	[smem:$0x3FA8] =	sst s5  }
0xe: {  	[smem:$0x3FA9] =	sst s6  }
0xf: {  	[smem:$0x3FAA] =	sst s7  }
0x10: {  	[smem:$0x3FAB] =	sst s8  }
0x11: {  	[smem:$0x3FAC] =	sst s9;
	s0 =	simm.s32 @!p0 $0x0  }
0x12: {  	s1 =	sld [smem:$0x3F92];
	s0 =	simm.s32 @p0 $0x1  }
0x13: {  	[smem:$0x3FAD] =	sst s0;
	s0 =	simm.s32 @!p1 $0x0  }
0x14: {  	s2 =	sld [smem:$0x3F91];
	s0 =	simm.s32 @p1 $0x1  }
0x15: {  	[smem:$0x3FAE] =	sst s0;
	s0 =	simm.s32 @!p2 $0x0  }
0x16: {  	s3 =	sld [smem:$0x3FDB];
	s0 =	simm.s32 @p2 $0x1  }
0x17: {  	s4 =	simm.s32 $0x1BF5;
	[smem:$0x3FB0] =	sst s0  }
0x18: {  	s0 =	sld [smem:$0x3F93];
	_ =	swait.ge [sflag:s4], $0x0  }
0x19: {  	s7 =	sld [smem:$0x3F94]  }
0x1a: {  	s8 =	sadd.s32 $0xFFFFE003, lr  }
0x1b: {  	s9 =	sadd.s32 $0xFFFFFEF7, lr;
	s5 =	simm.s32 $0xFFFFFFFF;
	p2 =	slt.u32 s8, $0xFFFFF086  }
0x1c: {  	p1 =	slt.u32 s9, $0xF7A;
	s5 =	simm.s32 @!p2 $0x0  }
0x1d: {  	s5 =	simm.s32 @p1 $0x1;
	p0 =	seq.s32 s7, s2  }
0x1e: {  	s7 =	smul.u32 @!p0 $0xF7A, s2;
	p2 =	seq.s32 @!p0 s5, $0x0  }
0x1f: {  	s9 =	smul.u32 $0xF7A, s1;
	s8 =	simm.s32 @!p0 $0x1BF5;
	p2 =	por !p2, p0  }
0x20: {  	[sflag:s8] =	ssyncset.s32 @!p0 $0xFFFFF086;
	s6 =	sadd.s32 @!p0 s3, s7;
	s7 =	simm.s32 @!p0 $0x108  }
0x21: {  	s3 =	sadd.s32 s3, s9;
	s6 =	sadd.s32 @!p0 $0x88, s6;
	s7 =	simm.s32 @p2 $0x1082  }
0x22: {  	[simem:s7], [sflag:s8] =	dma.local @!p0 [hbm:s6], $0xF7A  }
0x23: {  	s9 =	sor.u32 $0xD0000000, s2;
	s6 =	simm.s32 $0x108;
	_ =	swait.ge @!p0 [sflag:s8], $0x0  }
0x24: {  	s3 =	sadd.s32 $0x88, s3;
	s6 =	simm.s32 @!p1 $0x1082;
	[sflag:s4] =	ssyncset.s32 $0xFFFFF086  }
0x25: {  	[simem:s6], [sflag:s4] =	dma.local [hbm:s3], $0xF7A  }
0x26: {  	[smem:$0x3F94] =	sst s1;
	(tag) =	ssettag s2;
	_ =	strace s9  }
0x27: {  	s1 =	sld [smem:$0x3FA4]  }
0x28: {  	s2 =	sld [smem:$0x3FA5]  }
0x29: {  	s4 =	sld [smem:$0x3FA7]  }
0x2a: {  	p0 =	seq.s32 s5, $0x0;
	s5 =	sld [smem:$0x3FA8]  }
0x2b: {  	s6 =	sld [smem:$0x3FA9]  }
0x2c: {  	s7 =	sld [smem:$0x3FAA]  }
0x2d: {  	s3 =	simm.s32 $0x108;
	s8 =	sld [smem:$0x3FAB]  }
0x2e: {  	s3 =	simm.s32 @!p0 $0x1082;
	s9 =	sld [smem:$0x3FAC]  }
0x2f: {  	lr =	sadd.s32 s0, s3;
	s0 =	sld [smem:$0x3FA3]  }
0x30: {  	s3 =	sld [smem:$0x3FA6]  }
0x31: {  	[smem:$0x3FAF] =	sst s10  }
0x32: {  	s10 =	sld [smem:$0x3FAD];
	_ =	sdelay $0x3  }
0x33: {  	p0 =	seq.s32 s10, $0x1;
	s10 =	sld [smem:$0x3FAF];
	_ =	sdelay $0x3  }
0x34: {  	[smem:$0x3FAF] =	sst s10  }
0x35: {  	s10 =	sld [smem:$0x3FAE];
	_ =	sdelay $0x3  }
0x36: {  	p1 =	seq.s32 s10, $0x1;
	s10 =	sld [smem:$0x3FAF];
	_ =	sdelay $0x3  }
0x37: {  	[smem:$0x3FAF] =	sst s10  }
0x38: {  	s10 =	sld [smem:$0x3FB0]  }
0x39: {  	_ = 	snop;
	(pc) =	sbr.ind lr, $3  }
0x3a: {  	_ = 	snop  }
0x3b: {  	_ = 	snop  }
0x3c: {  	p2 =	seq.s32 s10, $0x1;
	s10 =	sld [smem:$0x3FAF]  }
0x3d: {  	_ =	shalt  }
0x3e: {  	_ =	shalt  }
0x3f: {  	_ =	shalt  }
0x40: {  	_ =	shalt  }
0x41: {  	_ =	shalt  }
0x42: {  	_ =	shalt  }
0x43: {  	_ =	shalt  }
0x44: {  	_ =	shalt  }
0x45: {  	_ =	shalt  }
0x46: {  	_ =	shalt  }
0x47: {  	_ =	shalt  }
0x48: {  	_ =	shalt  }
0x49: {  	_ =	shalt  }
0x4a: {  	_ =	shalt  }
0x4b: {  	_ =	shalt  }
0x4c: {  	_ =	shalt  }
0x4d: {  	_ =	shalt  }
0x4e: {  	_ =	shalt  }
0x4f: {  	_ =	shalt  }
0x50: {  	_ =	shalt  }
0x51: {  	_ =	shalt  }
0x52: {  	_ =	shalt  }
0x53: {  	_ =	shalt  }
0x54: {  	_ =	shalt  }
0x55: {  	_ =	shalt  }
0x56: {  	_ =	shalt  }
0x57: {  	_ =	shalt  }
0x58: {  	_ =	shalt  }
0x59: {  	_ =	shalt  }
0x5a: {  	_ =	shalt  }
0x5b: {  	_ =	shalt  }
0x5c: {  	_ =	shalt  }
0x5d: {  	_ =	shalt  }
0x5e: {  	_ =	shalt  }
0x5f: {  	_ =	shalt  }
0x60: {  	_ =	shalt  }
0x61: {  	_ =	shalt  }
0x62: {  	_ =	shalt  }
0x63: {  	_ =	shalt  }
0x64: {  	_ =	shalt  }
0x65: {  	_ =	shalt  }
0x66: {  	_ =	shalt  }
0x67: {  	_ =	shalt  }
0x68: {  	_ =	shalt  }
0x69: {  	_ =	shalt  }
0x6a: {  	_ =	shalt  }
0x6b: {  	_ =	shalt  }
0x6c: {  	_ =	shalt  }
0x6d: {  	_ =	shalt  }
0x6e: {  	_ =	shalt  }
0x6f: {  	_ =	shalt  }
0x70: {  	_ =	shalt  }
0x71: {  	_ =	shalt  }
0x72: {  	_ =	shalt  }
0x73: {  	_ =	shalt  }
0x74: {  	_ =	shalt  }
0x75: {  	_ =	shalt  }
0x76: {  	_ =	shalt  }
0x77: {  	_ =	shalt  }
0x78: {  	_ =	shalt  }
0x79: {  	_ =	shalt  }
0x7a: {  	_ =	shalt  }
0x7b: {  	_ =	shalt  }
0x7c: {  	_ =	shalt  }
0x7d: {  	_ =	shalt  }
0x7e: {  	_ =	shalt  }
0x7f: {  	_ =	shalt  }
0x80: {  	_ =	shalt  }
0x81: {  	_ =	shalt  }
0x82: {  	_ =	shalt  }
0x83: {  	_ =	shalt  }
0x84: {  	_ =	shalt  }
0x85: {  	_ =	shalt  }
0x86: {  	_ =	shalt  }
0x87: {  	_ =	shalt  }
.Lfunc_end0:
.L_simem_size_0:
called_computation_lowered:
.L_overlay_start_0:
0x88: {  	s2 =	sld [smem:$0x3FD9]  }
0x89: {  	s3 =	sld [smem:$0x3FFE];
	_ =	sdelay $0x1  }
0x8a: {  	s1 =	srdreg.scid  }
0x8b: {  	s0 =	sand.u32 $0x1, s1  }
0x8c: {  	s17 =	sshll.u32 s0, $0xA;
	s2 =	sadd.s32 s3, s2  }
0x8d: {  	s2 =	sadd.s32 s2, s17  }
0x8e: {  	[smem:$0x3FBB] =	sst s2  }
0x8f: {  	_ = 	snop  }
0x90: {  	(tm) =	ssettm $0x1  }
0x91: {  	s18 =	sld [smem:$0x3FFB];
	_ =	sdelay $0x3  }
0x92: {  	_ =	strace s18  }
0x93: {  	s2 =	sld [smem:$0x3FFC];
	_ =	sdelay $0x3  }
0x94: {  	_ =	strace s2  }
0x95: {  	s2 =	sld [smem:$0x3FFD];
	_ =	sdelay $0x3  }
0x96: {  	_ =	strace s2  }
0x97: {  	_ =	strace $0x8FFFFFFF  }
0x98: {  	s19 =	sld [smem:$0x3FDB];
	_ =	sdelay $0x1  }
0x99: {  	s20 =	simm.s32 $_scs_section_size  }
0x9a: {  	s4 =	simm.s32 $_size__tile_overlayer_lowered;
	s5 =	simm.s32 $_tile_overlayer_lowered  }
0x9b: {  	s6 =	simm.s32 $0x1BFF;
	s21 =	sshll.u32 s5, $0x1;
	s3 =	sadd.s32 s20, s19  }
0x9c: {  	s22 =	simm.s32 $0x0;
	s4 =	sshll.u32 s4, $0x1;
	s5 =	sadd.s32 s21, s3  }
0x9d: {  	[timem:s22], [sflag:s6] =	dma.local [hbm:s5], s4  }
0x9e: {  	_ =	swait.ge [sflag:s6], s4  }
0x9f: {  	s4 =	ssub.s32 $0x0, s4;
	[sflag:s6] =	ssyncset.done $0x0  }
0xa0: {  	[sflag:s6] =	ssyncadd.s32 s4;
	_ =	sdelay $0x1  }
0xa1: {  	s23 =	simm.s32 $0x1B8B  }
0xa2: {  	_ =	swait.ge [sflag:s23], $0x1  }
0xa3: {  	[sflag:s23] =	ssyncset.done $0x0  }
0xa4: {  	[sflag:s23] =	ssyncadd.s32 $0xFFFFFFFF  }
0xa5: {  	s4 =	sld [smem:$0x0]  }
0xa6: {  	s5 =	sand.u32 $0xFFFFFFFE, s1  }
0xa7: {  	p0 =	sne.s32 s1, s5  }
0xa8: {  	s5 =	sshll.u32 @p0 s5, $0xE  }
0xa9: {  	s5 =	sadd.s32 @p0 $0x11B8D, s5;
	s6 =	sshll.u32 @p0 s4, $0x11  }
0xaa: {  	s5 =	sor.u32 @p0 s6, s5  }
0xab: {  	[sflag:s5] =	ssyncadd.remote.s32 @p0 $0x1;
	_ =	sdelay $0x1  }
0xac: {  	s5 =	simm.s32 @p0 $0x1B8D  }
0xad: {  	_ =	swait.eq @p0 [sflag:s5], $0x1  }
0xae: {  	[sflag:s5] =	ssyncadd.s32 @p0 $0xFFFFFFFF  }
0xaf: {  	s6 =	sshll.u32 @!p0 s1, $0xE  }
0xb0: {  	s6 =	sor.u32 @!p0 $0x4000, s6;
	s5 =	simm.s32 @!p0 $0x1B8D  }
0xb1: {  	s4 =	sshll.u32 @!p0 s4, $0x11;
	s6 =	sadd.s32 @!p0 $0x11B8D, s6;
	_ =	swait.eq @!p0 [sflag:s5], $0x1  }
0xb2: {  	s4 =	sor.u32 @!p0 s4, s6;
	[sflag:s5] =	ssyncadd.s32 @!p0 $0xFFFFFFFF  }
0xb3: {  	s25 =	simm.s32 $0x1B8E;
	s24 =	sld [smem:$0x3FFE];
	[sflag:s4] =	ssyncadd.remote.s32 @!p0 $0x1  }
0xb4: {  	s26 =	simm.s32 $execute0_lowered;
	[smem:$0x3FD2] =	sst s25  }
0xb5: {  	s5 =	sshll.u32 s26, $0x1;
	_ =	strace $0x80000049;
	[dreg:$0x1] =	wrdreg $0xFFFFFFFF  }
0xb6: {  	s28 =	simm.s32 $_size_execute0_lowered;
	s3 =	sadd.s32 s3, s5;
	[dreg:$0x0] =	wrdreg $0x0  }
0xb7: {  	s5 =	sshll.u32 s28, $0x1;
	[dreg:$0x2] =	wrdreg s3  }
0xb8: {  	[dreg:$0x3] =	wrdreg s5  }
0xb9: {  	[dreg:$0x4] =	wrdreg $0xC0  }
0xba: {  	_ =	task [dreg:s22], $0x5FFFF  }
0xbb: {  	[dreg:$0x1] =	wrdreg $0xFFFFFFFF  }
0xbc: {  	[dreg:$0x0] =	wrdreg $0x60  }
0xbd: {  	[dreg:$0x2] =	wrdreg s24  }
0xbe: {  	[dreg:$0x3] =	wrdreg $0x68000  }
0xbf: {  	[dreg:$0x4] =	wrdreg $0x9  }
0xc0: {  	_ =	task.clear_ibuf [dreg:s22], $0x5FFFF;
	_ =	strace $0x90000049  }
0xc1: {  	s29 =	simm.s32 $0x9;
	_ =	strace $0x8000004B  }
0xc2: {  	_ =	swait.ge [sflag:s29], $0x1  }
0xc3: {  	[sflag:s29] =	ssyncadd.s32 $0xFFFFFFFF  }
0xc4: {  	_ =	strace $0x9000004B  }
0xc5: {  	_ =	sfence  }
0xc6: {  	s30 =	sld [smem:$0x0];
	_ =	sdelay $0x2  }
0xc7: {  	s31 =	sshll.u32 s1, $0xD;
	s1 =	sshrl.u32 s1, $0x2  }
0xc8: {  	s4 =	sand.u32 $0x4000, s31;
	s1 =	sadd.s32 s1, s30  }
0xc9: {  	s0 =	sor.u32 s4, s0;
	s1 =	sshll.u32 s1, $0x11  }
0xca: {  	s0 =	sor.u32 s1, s0  }
0xcb: {  	s0 =	sadd.s32 $0x8F2B, s0  }
0xcc: {  	[sflag:s0] =	ssyncadd.remote.s32 $0x1  }
0xcd: {  	_ =	sfence.sel $0xFFFF  }
0xce: {  	[dreg:$0x0] =	wrdreg $0xFFFFFFFF;
	(pc) =	sbr.abs _section_cstart, $3  }
0xcf: {  	[dreg:$0x1] =	wrdreg $0xFFFFFFFF  }
0xd0: {  	_ =	task.clear_ibuf [dreg:s22], $0x2FFFF;
	_ =	strace $0x9FFFFFFF  }
0xd1: {  	(tm) =	ssettm $0x7FFFFFFF  }
tec
execute0_lowered:
.L_overlay_start_1:
0x0: {  	(tag) =	ssettag $0x1  }
0x1: {  	s1 =	srdreg.scid  }
0x2: {  	s0 =	stileid.u32;
	s5 =	rddreg [dreg:$0x0]  }
0x3: {  	s2 =	rddreg [dreg:$0x1];
	s3 =	simm.s32 $0x0;
	s13 =	simm.s32 $0x1  }
0x4: {  	s14 =	simm.s32 $0x80;
	s4 =	sand.u32 $0x1, s1;
	s7 =	smul.u32 $0x2800, s0  }
0x5: {  	s28 =	sshll.u32 s0, $0x1;
	[smem:$0x7FF] =	sst s3;
	s8 =	smul.u32 $0x50000, s0  }
0x6: {  	s15 =	sshll.u32 s0, $0x6;
	s1 =	sor.u32 s4, s28;
	s9 =	smul.u32 $0x28000, s4  }
0x7: {  	s29 =	ssub.s32 $0x2, s4;
	s15 =	sor.u32 $0x1C01, s15;
	s6 =	smul.u32 $0x500, s1  }
0x8: {  	s1 =	rddreg [dreg:$0x2];
	_ =	strace $0x8000004A;
	s30 =	sshrl.u32 s8, $0x2  }
0x9: {  	s31 =	sshrl.u32 s29, $0x1;
	s7 =	sadd.s32 s7, s9;
	s4 =	sadd.s32 s30, s2  }
0xa: {  	s12 =	ssub.s32 s29, s31;
	s10 =	sadd.s32 s6, s5;
	s11 =	sadd.s32 s7, s5  }
0xb: {  	s5 =	sadd.s32 $0x4000, s4;
	s6 =	sadd.s32 $0x8000, s4;
	s7 =	sadd.s32 $0xC000, s4  }
0xc: {  	s8 =	sadd.s32 $0x10000, s4;
	s16 =	sshrl.u32 s4, $0x3;
	s9 =	sadd.s32 $0x2A00, s10  }
0xd: {  	v0 =	vimm.f32 $0.0e+00;
	v1 =	vimm.f32 $1.000000000e+00;
	s10 =	sadd.s32 $0x66A00, s11;
	s11 =	smax.u32 s12, $0x1;
	s12 =	simm.s32 $0x2800  }
.LBB2_1:
0xe: {  	s17 =	simm.s32 $0x0;
	s18 =	simm.s32 $0x200  }
.LBB2_2:
0xf: {  	p0 =	sne.s32 s18, $0xFE00;
	[tilespmem:s17+$0x2870] =	vst v0  }
0x10: {  	[tilespmem:s17+$0x2800] =	vst v0  }
0x11: {  	[tilespmem:s17+$0x2810] =	vst v0  }
.Ltmp0:
0x12: {  	[tilespmem:s17+$0x2820] =	vst v0;
	(pc) =	sbr.rel @p0 .LBB2_2-.Ltmp0, $4  }
0x13: {  	[tilespmem:s17+$0x2830] =	vst v0  }
0x14: {  	[tilespmem:s17+$0x2840] =	vst v0  }
0x15: {  	[tilespmem:s17+$0x2850] =	vst v0  }
0x16: {  	[tilespmem:s17+$0x2860] =	vst v0;
	s17 =	sshra.s32 s18, $0x2;
	s18 =	sadd.s32 $0x200, s18  }
0x17: {  	[tilespmem:s17+$0x2870] =	vst v0  }
0x18: {  	[tilespmem:s17+$0x2800] =	vst v0  }
0x19: {  	[tilespmem:s17+$0x2810] =	vst v0  }
0x1a: {  	[tilespmem:s17+$0x2820] =	vst v0  }
0x1b: {  	[tilespmem:s17+$0x2830] =	vst v0  }
0x1c: {  	[tilespmem:s17+$0x2840] =	vst v0  }
0x1d: {  	[tilespmem:s17+$0x2850] =	vst v0  }
0x1e: {  	[tilespmem:s17+$0x2860] =	vst v0  }
0x1f: {  	[spmem:s4] =	stream.linear.scatter [tilespmem:s12], [sflag:$0x1], $0x4000, $0x38;
	[tilespmem:$0x1A800] =	vst v63  }
0x20: {  	_ =	swait.ge [sflag:s13], $0x4000  }
0x21: {  	[sflag:s13] =	ssyncset.done $0x0  }
0x22: {  	[sflag:s13] =	ssyncadd.s32 $0xFFFFC000  }
0x23: {  	[spmem:s5] =	stream.linear.scatter [tilespmem:s12], [sflag:$0x1], $0x4000, $0x38;
	[tilespmem:$0x1A800] =	vst v63  }
0x24: {  	_ =	swait.ge [sflag:s13], $0x4000  }
0x25: {  	[sflag:s13] =	ssyncset.done $0x0  }
0x26: {  	[sflag:s13] =	ssyncadd.s32 $0xFFFFC000  }
0x27: {  	[spmem:s6] =	stream.linear.scatter [tilespmem:s12], [sflag:$0x1], $0x4000, $0x38;
	[tilespmem:$0x1A800] =	vst v63  }
0x28: {  	_ =	swait.ge [sflag:s13], $0x4000  }
0x29: {  	[sflag:s13] =	ssyncset.done $0x0  }
0x2a: {  	[sflag:s13] =	ssyncadd.s32 $0xFFFFC000  }
0x2b: {  	[spmem:s7] =	stream.linear.scatter [tilespmem:s12], [sflag:$0x1], $0x4000, $0x38;
	[tilespmem:$0x1A800] =	vst v63  }
0x2c: {  	_ =	swait.ge [sflag:s13], $0x4000  }
0x2d: {  	[sflag:s13] =	ssyncset.done $0x0  }
0x2e: {  	[sflag:s13] =	ssyncadd.s32 $0xFFFFC000  }
0x2f: {  	[spmem:s8] =	stream.linear.scatter [tilespmem:s12], [sflag:$0x1], $0x4000, $0x38;
	[tilespmem:$0x1A800] =	vst v63  }
0x30: {  	_ =	swait.ge [sflag:s13], $0x4000  }
0x31: {  	[sflag:s13] =	ssyncset.done $0x0  }
0x32: {  	s17 =	simm.s32 $0x0;
	s18 =	simm.s32 $0x200;
	[sflag:s13] =	ssyncadd.s32 $0xFFFFC000  }
.LBB2_4:
0x33: {  	p0 =	sne.s32 s18, $0xFE00;
	[tilespmem:s17+$0x2870] =	vst v1  }
0x34: {  	[tilespmem:s17+$0x2800] =	vst v1  }
0x35: {  	[tilespmem:s17+$0x2810] =	vst v1  }
.Ltmp1:
0x36: {  	[tilespmem:s17+$0x2820] =	vst v1;
	(pc) =	sbr.rel @p0 .LBB2_4-.Ltmp1, $4  }
0x37: {  	[tilespmem:s17+$0x2830] =	vst v1  }
0x38: {  	[tilespmem:s17+$0x2840] =	vst v1  }
0x39: {  	[tilespmem:s17+$0x2850] =	vst v1  }
0x3a: {  	[tilespmem:s17+$0x2860] =	vst v1;
	s17 =	sshra.s32 s18, $0x2;
	s18 =	sadd.s32 $0x200, s18  }
0x3b: {  	[tilespmem:s17+$0x2870] =	vst v1  }
0x3c: {  	[tilespmem:s17+$0x2800] =	vst v1  }
0x3d: {  	[tilespmem:s17+$0x2810] =	vst v1  }
0x3e: {  	[tilespmem:s17+$0x2820] =	vst v1  }
0x3f: {  	[tilespmem:s17+$0x2830] =	vst v1  }
0x40: {  	[tilespmem:s17+$0x2840] =	vst v1  }
0x41: {  	[tilespmem:s17+$0x2850] =	vst v1  }
0x42: {  	[tilespmem:s17+$0x2860] =	vst v1  }
0x43: {  	s30 =	simm.s32 $0x0;
	[bflag:$0x0] =	sbarrier.arrive $0xFFFF  }
0x44: {  	[tilespmem:s30], [sflag:$0x1] =	stream.linear.gather [hbm4b:s9+s30], $0x2780, $0x38;
	[tilespmem:$0x1A800] =	vst v63  }
0x45: {  	_ =	swait.ge [sflag:s13], $0x2780  }
0x46: {  	[sflag:s13] =	ssyncset.done $0x0  }
0x47: {  	s31 =	simm.s32 $0x0;
	[sflag:s13] =	ssyncadd.s32 $0xFFFFD880  }
0x48: {  	[spmem:s2] =	stream.indirect.scatter.add.f32 [tilespmem:s12], [sflag:$0x1], $0x80, s31, s14, $0xb8;
	[tilespmem:$0x1A800] =	vst v63  }
0x49: {  	_ =	swait.ge [sflag:s13], $0x4000  }
0x4a: {  	s17 =	simm.s32 $0x200;
	[sflag:s13] =	ssyncset.done $0x0  }
.LBB2_6:
0x4b: {  	s18 =	sshra.s32 s17, $0x2;
	[sflag:s13] =	ssyncadd.s32 $0xFFFFC000;
	p0 =	sne.s32 s17, $0x9C00  }
0x4c: {  	[spmem:s2] =	stream.indirect.scatter.add.f32 [tilespmem:s12], [sflag:$0x1], $0x80, s18, s14, $0xb8;
	[tilespmem:$0x1A800] =	vst v63  }
.Ltmp2:
0x4d: {  	_ = 	snop;
	(pc) =	sbr.rel @p0 .LBB2_6-.Ltmp2, $4  }
0x4e: {  	_ = 	snop  }
0x4f: {  	s17 =	sadd.s32 $0x200, s17  }
0x50: {  	_ =	swait.ge [sflag:s13], $0x4000  }
0x51: {  	[sflag:s13] =	ssyncset.done $0x0  }
0x52: {  	s3 =	sadd.s32 $0x1, s3  }
0x53: {  	[sflag:s13] =	ssyncadd.s32 $0xFFFFC000;
	p0 =	sne.s32 s3, s11  }
.Ltmp3:
0x54: {  	[bflag:$0x0] =	sbarrier.arrive $0xFFFF;
	(pc) =	sbr.rel @p0 .LBB2_1-.Ltmp3, $4  }
0x55: {  	[hbm:s10], [sflag:s15] =	dma.local [spmem:s16], $0x2800  }
0x56: {  	_ =	swait.ge [sflag:s13], $0x2800  }
0x57: {  	[sflag:s13] =	ssyncset.done $0x0  }
0x58: {  	[sflag:s13] =	ssyncadd.s32 $0xFFFFD800  }
0x59: {  	_ =	sfence.sel $0x180000  }
0x5a: {  	[bflag:$0x0] =	sbarrier.arrive $0xFFFF  }
0x5b: {  	p0 =	sne.s32 s0, $0x0;
	_ =	strace $0x9000004A  }
0x5c: {  	s0 =	sadd.s32 @!p0 $0x100000, s1;
	[bflag:$0x2] =	sbarrier.arrive $0xFFFF  }
0x5d: {  	[sflag:s0] =	ssyncadd.tile.s32 @!p0 $0x1;
	_ =	shalt  }
.Lfunc_end2:
_tile_overlayer_lowered:
.L_overlay_start_2:
0x5e: {  	(tag) =	ssettag $0x2  }
0x5f: {  	s0 =	rddreg [dreg:$0x0];
	s2 =	stileid.u32  }
0x60: {  	s1 =	rddreg [dreg:$0x1];
	p0 =	sne.s32 s2, $0x0  }
0x61: {  	s3 =	rddreg [dreg:$0x2];
	[bflag:$0x3] =	sbarrier.arrive $0xFFFF;
	s2 =	simm.s32 @!p0 $0x1C01  }
0x62: {  	[timem:s3], [sflag:s2] =	dma.local @!p0 [hbm:s0], s1  }
0x63: {  	s0 =	simm.s32 @!p0 $0x1  }
0x64: {  	_ =	swait.ge @!p0 [sflag:s0], s1  }
0x65: {  	s1 =	ssub.s32 @!p0 $0x0, s1;
	[sflag:s0] =	ssyncset.done @!p0 $0x0  }
0x66: {  	[sflag:s0] =	ssyncadd.s32 @!p0 s1  }
0x67: {  	[bflag:$0x3] =	sbarrier.arrive $0xFFFF  }
0x68: {  	_ =	shalt  }

</sc_bundles>
